<compile_context>
chip_gen: v7x
topology: tpu7x:2x2x1
jax: 0.10.2.dev20260603
libtpu: 0.0.44.dev20260713+nightly
codegen_flags: <defaults>
</compile_context>

<pallas_src>
import functools

import jax
import jax.numpy as jnp
from jax import lax
from jax.experimental import pallas as pl
from jax.experimental.pallas import tpu as pltpu
from jax.experimental.pallas import tpu_sc as plsc

NC = 2
NS = 16
K = 120
NB = 3
BR = 400


def _round_up(a, m):
    return (a + m - 1) // m * m


def _pad_edges(src, dst, n, e, n_pad, e_pad):
    pad = e_pad - e
    dummy = n + (jnp.arange(pad, dtype=src.dtype) % (n_pad - n))
    srcp = jnp.concatenate([src, jnp.zeros((pad,), src.dtype)])
    dstp = jnp.concatenate([dst, dummy])
    return srcp, dstp


def _make_agg(n, n_pad, e_pad, d):
    nw = NC * NS
    epw = e_pad // nw
    chunks = epw // K
    groups = chunks // NB
    stripe = n_pad // NS
    mesh = plsc.VectorSubcoreMesh(core_axis_name="c", subcore_axis_name="s")

    @functools.partial(
        pl.kernel,
        out_type=jax.ShapeDtypeStruct((NC * n_pad, d), jnp.float32),
        mesh=mesh,
        scratch_types=(
            [pltpu.VMEM((K,), jnp.int32) for _ in range(2 * NB)]
            + [pltpu.VMEM((K, d), jnp.float32) for _ in range(NB)]
            + [pltpu.VMEM_SHARED((n_pad, d), jnp.float32)]
            + [pltpu.SemaphoreType.DMA for _ in range(NB)]
        ),
    )
    def k(table_hbm, src_hbm, dst_hbm, zeros_hbm, out_hbm, *scratch):
        sidx = scratch[0:NB]
        didx = scratch[NB:2 * NB]
        rows = scratch[2 * NB:3 * NB]
        acc = scratch[3 * NB]
        sems = scratch[3 * NB + 1:]
        c = lax.axis_index("c")
        s = lax.axis_index("s")
        pltpu.sync_copy(zeros_hbm, acc.at[pl.ds(s * stripe, stripe)])
        plsc.subcore_barrier()
        base = (c * NS + s) * epw

        def fetch(i, b):
            off = base + i * K
            pltpu.sync_copy(src_hbm.at[pl.ds(off, K)], sidx[b])
            pltpu.sync_copy(dst_hbm.at[pl.ds(off, K)], didx[b])
            pltpu.async_copy(table_hbm.at[sidx[b]], rows[b], sems[b])

        def drain_scatter(b):
            pltpu.make_async_copy(table_hbm.at[sidx[b]], rows[b], sems[b]).wait()
            pltpu.sync_copy(rows[b], acc.at[didx[b]], add=True)

        for b in range(NB):
            fetch(b, b)

        def body(g, carry):
            i0 = g * NB
            for b in range(NB):
                drain_scatter(b)

                @pl.when(g < groups - 1)
                def _():
                    fetch(i0 + NB + b, b)

            return carry

        lax.fori_loop(0, groups, body, 0)
        plsc.subcore_barrier()
        pltpu.sync_copy(acc.at[pl.ds(s * stripe, stripe)],
                        out_hbm.at[pl.ds(c * n_pad + s * stripe, stripe)])

    return k


def _make_deg(n_pad, e_pad, d):
    nw = NC * NS
    epw = e_pad // nw
    cpw = epw // K
    stripe = n_pad // NS
    mesh = plsc.VectorSubcoreMesh(core_axis_name="c", subcore_axis_name="s")

    @functools.partial(
        pl.kernel,
        out_type=jax.ShapeDtypeStruct((NC * n_pad, d), jnp.float32),
        mesh=mesh,
        scratch_types=[
            pltpu.VMEM((K,), jnp.int32), pltpu.VMEM((K,), jnp.int32),
            pltpu.VMEM((K, d), jnp.float32),
            pltpu.VMEM_SHARED((n_pad, d), jnp.float32),
        ],
    )
    def k(dst_hbm, ones_hbm, zeros_hbm, out_hbm, didx0, didx1, ones_v, acc):
        c = lax.axis_index("c")
        s = lax.axis_index("s")
        pltpu.sync_copy(ones_hbm, ones_v)
        pltpu.sync_copy(zeros_hbm, acc.at[pl.ds(s * stripe, stripe)])
        plsc.subcore_barrier()
        base = (c * NS + s) * epw

        def body(j, carry):
            off = base + 2 * j * K
            pltpu.sync_copy(dst_hbm.at[pl.ds(off, K)], didx0)
            pltpu.sync_copy(dst_hbm.at[pl.ds(off + K, K)], didx1)
            pltpu.sync_copy(ones_v, acc.at[didx0], add=True)
            pltpu.sync_copy(ones_v, acc.at[didx1], add=True)
            return carry

        lax.fori_loop(0, cpw // 2, body, 0)
        plsc.subcore_barrier()
        pltpu.sync_copy(acc.at[pl.ds(s * stripe, stripe)],
                        out_hbm.at[pl.ds(c * n_pad + s * stripe, stripe)])

    return k


def _dinv_of(degp0, degp1):
    deg = degp0[:, 0:1] + degp1[:, 0:1] + 1.0
    return 1.0 / jnp.sqrt(jnp.maximum(deg, 1.0))


def _mm_body(x_ref, w_ref, y_ref):
    y_ref[...] = jnp.dot(x_ref[...], w_ref[...],
                         preferred_element_type=jnp.float32)


def _prep_body(degp_ref, x_ref, xs_ref):
    dinv = _dinv_of(degp_ref[0], degp_ref[1])
    xs_ref[...] = x_ref[...] * dinv


def _l1_body(degp_ref, rawp_ref, ys_ref, b_ref, hs_ref):
    dinv = _dinv_of(degp_ref[0], degp_ref[1])
    h = (rawp_ref[0] + rawp_ref[1] + ys_ref[...]) * dinv + b_ref[...]
    hs_ref[...] = jnp.maximum(h, 0.0) * dinv


def _l2_body(degp_ref, rawp_ref, hs_ref, wmu_ref, bmu_ref, wls_ref, bls_ref,
             mu_ref, ls_ref):
    dinv = _dinv_of(degp_ref[0], degp_ref[1])
    agg = (rawp_ref[0] + rawp_ref[1] + hs_ref[...]) * dinv
    mu_ref[...] = jnp.dot(agg, wmu_ref[...], preferred_element_type=jnp.float32) + bmu_ref[...]
    ls_ref[...] = jnp.dot(agg, wls_ref[...], preferred_element_type=jnp.float32) + bls_ref[...]


def _row_spec(d):
    return pl.BlockSpec((BR, d), lambda i: (i, 0))


def _part_spec(d):
    return pl.BlockSpec((NC, BR, d), lambda i: (0, i, 0))


def _full_spec(shape):
    return pl.BlockSpec(shape, lambda i: tuple(0 for _ in shape))


def kernel(x, edge_index, W1, b1, W_mu, b_mu, W_ls, b_ls):
    n, d_in = x.shape
    e = edge_index.shape[1]
    d_hid = W1.shape[1]
    d_out = W_mu.shape[1]
    nw = NC * NS

    n_pad = _round_up(n + 1, 128)
    e_pad = _round_up(e, nw * K * NB)
    stripe = n_pad // NS
    grid = (n // BR,)

    srcp, dstp = _pad_edges(edge_index[0], edge_index[1], n, e, n_pad, e_pad)
    zeros_d = jnp.zeros((stripe, d_in), jnp.float32)
    zeros_h = jnp.zeros((stripe, d_hid), jnp.float32)
    ones_k = jnp.ones((K, d_in), jnp.float32)

    y = pl.pallas_call(
        _mm_body, grid=grid,
        in_specs=[_row_spec(d_in), _full_spec((d_in, d_hid))],
        out_specs=_row_spec(d_hid),
        out_shape=jax.ShapeDtypeStruct((n, d_hid), jnp.float32),
    )(x, W1)

    agg_fn = _make_agg(n, n_pad, e_pad, d_hid)
    degp = _make_deg(n_pad, e_pad, d_in)(dstp, ones_k, zeros_d).reshape(NC, n_pad, d_in)

    ys = pl.pallas_call(
        _prep_body, grid=grid,
        in_specs=[_part_spec(d_in), _row_spec(d_hid)],
        out_specs=_row_spec(d_hid),
        out_shape=jax.ShapeDtypeStruct((n, d_hid), jnp.float32),
    )(degp, y)

    raw1 = agg_fn(ys, srcp, dstp, zeros_h).reshape(NC, n_pad, d_hid)

    hs = pl.pallas_call(
        _l1_body, grid=grid,
        in_specs=[_part_spec(d_in), _part_spec(d_hid), _row_spec(d_hid),
                  _full_spec((1, d_hid))],
        out_specs=_row_spec(d_hid),
        out_shape=jax.ShapeDtypeStruct((n, d_hid), jnp.float32),
    )(degp, raw1, ys, b1.reshape(1, d_hid))

    raw2 = agg_fn(hs, srcp, dstp, zeros_h).reshape(NC, n_pad, d_hid)

    mu, ls = pl.pallas_call(
        _l2_body, grid=grid,
        in_specs=[_part_spec(d_in), _part_spec(d_hid), _row_spec(d_hid),
                  _full_spec((d_hid, d_out)), _full_spec((1, d_out)),
                  _full_spec((d_hid, d_out)), _full_spec((1, d_out))],
        out_specs=[_row_spec(d_out), _row_spec(d_out)],
        out_shape=[jax.ShapeDtypeStruct((n, d_out), jnp.float32),
                   jax.ShapeDtypeStruct((n, d_out), jnp.float32)],
    )(degp, raw2, hs, W_mu, b_mu.reshape(1, d_out), W_ls, b_ls.reshape(1, d_out))

    return (mu, ls)

# --- scband reference (transcript-rebuilt; emitter-appended) ---
"""Pipeline reference for scband-encoder-30751965839570 (READ-ONLY COPY).

The authoritative reference and input builder live on the scoring server;
editing this copy changes nothing except your own understanding.
"""

import jax, jax.numpy as jnp
import numpy as np

N = 10000
E = 320000
D_IN = 128
D_HID = 128  # 2 * out_channels
D_OUT = 64


def setup_inputs(seed: int = 0) -> dict:
    key = jax.random.key(seed)
    ks = jax.random.split(key, 8)
    x = jax.random.normal(ks[0], (N, D_IN), dtype=jnp.float32)
    edge_index = jax.random.randint(ks[1], (2, E), 0, N, dtype=jnp.int32)
    # GCNConv learned parameters (glorot-ish scaling)
    W1 = jax.random.normal(ks[2], (D_IN, D_HID), dtype=jnp.float32) * (1.0 / np.sqrt(D_IN))
    b1 = jnp.zeros((D_HID,), dtype=jnp.float32)
    W_mu = jax.random.normal(ks[3], (D_HID, D_OUT), dtype=jnp.float32) * (1.0 / np.sqrt(D_HID))
    b_mu = jnp.zeros((D_OUT,), dtype=jnp.float32)
    W_ls = jax.random.normal(ks[4], (D_HID, D_OUT), dtype=jnp.float32) * (1.0 / np.sqrt(D_HID))
    b_ls = jnp.zeros((D_OUT,), dtype=jnp.float32)
    return {"x": x, "edge_index": edge_index, "W1": W1, "b1": b1,
            "W_mu": W_mu, "b_mu": b_mu, "W_ls": W_ls, "b_ls": b_ls}


def _gcn_layer(x, src, dst, W, b):
    # GCNConv: x @ W, then symmetric-normalized scatter-add aggregation
    h = x @ W
    deg = jnp.zeros((N,), dtype=x.dtype).at[dst].add(1.0)
    dinv = 1.0 / jnp.sqrt(jnp.maximum(deg, 1.0))
    norm = dinv[src] * dinv[dst]
    msg = h[src] * norm[:, None]
    out = jax.ops.segment_sum(msg, dst, num_segments=N)
    return out + b


def reference(x, edge_index, W1, b1, W_mu, b_mu, W_ls, b_ls):
    # dropout p=0.0 -> identity (deterministic)
    loops = jnp.arange(N, dtype=edge_index.dtype)
    src = jnp.concatenate([edge_index[0], loops])
    dst = jnp.concatenate([edge_index[1], loops])
    h = jax.nn.relu(_gcn_layer(x, src, dst, W1, b1))
    mu = _gcn_layer(h, src, dst, W_mu, b_mu)
    logstd = _gcn_layer(h, src, dst, W_ls, b_ls)
    return (mu, logstd)

if __name__ == "__main__":
    import jax
    _d = setup_inputs()
    print(jax.jit(kernel)(*tuple(_d.values())))

</pallas_src>

<mosaic_0001>
#map = affine_map<(d0, d1) -> (0)>
#map1 = affine_map<(d0, d1) -> (0, 0)>
module attributes {stable_mosaic.version = 14 : i64} {
  func.func @k(%arg0: i32, %arg1: i32, %arg2: memref<322560xi32, #tpu.memory_space<hbm>>, %arg3: memref<120x128xf32, #tpu.memory_space<hbm>>, %arg4: memref<632x128xf32, #tpu.memory_space<hbm>>, %arg5: memref<20224x128xf32, #tpu.memory_space<hbm>>, %arg6: memref<120xi32, #tpu.memory_space<vmem>>, %arg7: memref<120xi32, #tpu.memory_space<vmem>>, %arg8: memref<120x128xf32, #tpu.memory_space<vmem>>, %arg9: memref<10112x128xf32, #tpu.memory_space<vmem_shared>>) attributes {dimension_semantics = [#tpu.dimension_semantics<core_parallel>, #tpu.dimension_semantics<subcore_parallel>], iteration_bounds = array<i64: 2, 16>, scalar_prefetch = 0 : i64, scratch_operands = 4 : i64, tpu.core_type = #tpu.core_type<sc_vector_subcore>, window_params = [{transform_indices = #map}, {transform_indices = #map1}, {transform_indices = #map1}, {transform_indices = #map1}]} {
    "tpu.region"() ({
      %run_scoped3A = tpu.sem_alloc : memref<!tpu.dma_semaphore, #tpu.memory_space<semaphore_mem>>
      tpu.enqueue_dma source(%arg3 : memref<120x128xf32, #tpu.memory_space<hbm>>) target(%arg8 : memref<120x128xf32, #tpu.memory_space<vmem>>) target_semaphore(%run_scoped3A : memref<!tpu.dma_semaphore, #tpu.memory_space<semaphore_mem>>)
      tpu.wait_dma2 semaphore(%run_scoped3A : memref<!tpu.dma_semaphore, #tpu.memory_space<semaphore_mem>>) src(%arg3 : memref<120x128xf32, #tpu.memory_space<hbm>>) dst(%arg8 : memref<120x128xf32, #tpu.memory_space<vmem>>)
      tpu.yield
    }) : () -> ()
    %mul3A = arith.constant 632 : i32
    %mul3A_0 = arith.muli %arg1, %mul3A : i32
    "tpu.region"() ({
      %run_scoped3A = tpu.sem_alloc : memref<!tpu.dma_semaphore, #tpu.memory_space<semaphore_mem>>
      %dma_start3A = arith.constant 0 : i32
      %dma_start3A_18 = tpu.memref_slice %arg9[%mul3A_0, %dma_start3A] : memref<10112x128xf32, #tpu.memory_space<vmem_shared>> -> memref<632x128xf32, #tpu.memory_space<vmem_shared>>
      tpu.enqueue_dma source(%arg4 : memref<632x128xf32, #tpu.memory_space<hbm>>) target(%dma_start3A_18 : memref<632x128xf32, #tpu.memory_space<vmem_shared>>) target_semaphore(%run_scoped3A : memref<!tpu.dma_semaphore, #tpu.memory_space<semaphore_mem>>)
      %dma_wait3A = arith.constant 0 : i32
      %dma_wait3A_19 = tpu.memref_slice %arg9[%mul3A_0, %dma_wait3A] : memref<10112x128xf32, #tpu.memory_space<vmem_shared>> -> memref<632x128xf32, #tpu.memory_space<vmem_shared>>
      tpu.wait_dma2 semaphore(%run_scoped3A : memref<!tpu.dma_semaphore, #tpu.memory_space<semaphore_mem>>) src(%arg4 : memref<632x128xf32, #tpu.memory_space<hbm>>) dst(%dma_wait3A_19 : memref<632x128xf32, #tpu.memory_space<vmem_shared>>)
      tpu.yield
    }) : () -> ()
    %barrier3A = arith.constant 0 : index
    tpu.barrier barrier_id(%barrier3A)
    %mul3A_1 = arith.constant 16 : i32
    %mul3A_2 = arith.muli %arg0, %mul3A_1 : i32
    %add3A = arith.addi %mul3A_2, %arg1 : i32
    %mul3A_3 = arith.constant 10080 : i32
    %mul3A_4 = arith.muli %add3A, %mul3A_3 : i32
    %scan3A = arith.constant 0 : i32
    %scan3A_5 = arith.constant 0 : i32
    %scan3A_6 = arith.constant 42 : i32
    %scan3A_7 = arith.addi %scan3A_5, %scan3A_6 : i32
    %scan3A_8 = arith.constant 1 : i32
    scf.for %scan3A_18 = %scan3A_5 to %scan3A_7 step %scan3A_8  : i32 {
      %mul3A_19 = arith.constant 2 : i32
      %mul3A_20 = arith.muli %mul3A_19, %scan3A_18 : i32
      %mul3A_21 = arith.constant 120 : i32
      %mul3A_22 = arith.muli %mul3A_20, %mul3A_21 : i32
      %add3A_23 = arith.addi %mul3A_4, %mul3A_22 : i32
      "tpu.region"() ({
        %run_scoped3A = tpu.sem_alloc : memref<!tpu.dma_semaphore, #tpu.memory_space<semaphore_mem>>
        %dma_start3A = tpu.memref_slice %arg2[%add3A_23] : memref<322560xi32, #tpu.memory_space<hbm>> -> memref<120xi32, #tpu.memory_space<hbm>>
        %dma_start3A_26 = tpu.memref_slice %arg2[%add3A_23] : memref<322560xi32, #tpu.memory_space<hbm>> -> memref<120xi32, #tpu.memory_space<hbm>>
        tpu.enqueue_dma source(%dma_start3A_26 : memref<120xi32, #tpu.memory_space<hbm>>) target(%arg6 : memref<120xi32, #tpu.memory_space<vmem>>) target_semaphore(%run_scoped3A : memref<!tpu.dma_semaphore, #tpu.memory_space<semaphore_mem>>)
        %dma_wait3A = tpu.memref_slice %arg2[%add3A_23] : memref<322560xi32, #tpu.memory_space<hbm>> -> memref<120xi32, #tpu.memory_space<hbm>>
        %dma_wait3A_27 = tpu.memref_slice %arg2[%add3A_23] : memref<322560xi32, #tpu.memory_space<hbm>> -> memref<120xi32, #tpu.memory_space<hbm>>
        tpu.wait_dma2 semaphore(%run_scoped3A : memref<!tpu.dma_semaphore, #tpu.memory_space<semaphore_mem>>) src(%dma_wait3A_27 : memref<120xi32, #tpu.memory_space<hbm>>) dst(%arg6 : memref<120xi32, #tpu.memory_space<vmem>>)
        tpu.yield
      }) : () -> ()
      %add3A_24 = arith.constant 120 : i32
      %add3A_25 = arith.addi %add3A_23, %add3A_24 : i32
      "tpu.region"() ({
        %run_scoped3A = tpu.sem_alloc : memref<!tpu.dma_semaphore, #tpu.memory_space<semaphore_mem>>
        %dma_start3A = tpu.memref_slice %arg2[%add3A_25] : memref<322560xi32, #tpu.memory_space<hbm>> -> memref<120xi32, #tpu.memory_space<hbm>>
        %dma_start3A_26 = tpu.memref_slice %arg2[%add3A_25] : memref<322560xi32, #tpu.memory_space<hbm>> -> memref<120xi32, #tpu.memory_space<hbm>>
        tpu.enqueue_dma source(%dma_start3A_26 : memref<120xi32, #tpu.memory_space<hbm>>) target(%arg7 : memref<120xi32, #tpu.memory_space<vmem>>) target_semaphore(%run_scoped3A : memref<!tpu.dma_semaphore, #tpu.memory_space<semaphore_mem>>)
        %dma_wait3A = tpu.memref_slice %arg2[%add3A_25] : memref<322560xi32, #tpu.memory_space<hbm>> -> memref<120xi32, #tpu.memory_space<hbm>>
        %dma_wait3A_27 = tpu.memref_slice %arg2[%add3A_25] : memref<322560xi32, #tpu.memory_space<hbm>> -> memref<120xi32, #tpu.memory_space<hbm>>
        tpu.wait_dma2 semaphore(%run_scoped3A : memref<!tpu.dma_semaphore, #tpu.memory_space<semaphore_mem>>) src(%dma_wait3A_27 : memref<120xi32, #tpu.memory_space<hbm>>) dst(%arg7 : memref<120xi32, #tpu.memory_space<vmem>>)
        tpu.yield
      }) : () -> ()
      "tpu.region"() ({
        %run_scoped3A = tpu.sem_alloc : memref<!tpu.dma_semaphore, #tpu.memory_space<semaphore_mem>>
        %dma_start3A = arith.constant 0 : i32
        %dma_start3A_26 = arith.constant 0 : i32
        %dma_start3A_27 = tpu.memref_slice %arg9[%dma_start3A, %dma_start3A_26] : memref<10112x128xf32, #tpu.memory_space<vmem_shared>> -> memref<10112x128xf32, #tpu.memory_space<vmem_shared>>
        tpu.enqueue_indirect_dma source(%arg8 : memref<120x128xf32, #tpu.memory_space<vmem>>) target(%dma_start3A_27 : memref<10112x128xf32, #tpu.memory_space<vmem_shared>>) offsets(%arg6 : memref<120xi32, #tpu.memory_space<vmem>>) semaphore(%run_scoped3A : memref<!tpu.dma_semaphore, #tpu.memory_space<semaphore_mem>>) {add = true}
        %dma_wait3A = arith.constant 0 : i32
        %dma_wait3A_28 = arith.constant 0 : i32
        %dma_wait3A_29 = tpu.memref_slice %arg9[%dma_wait3A, %dma_wait3A_28] : memref<10112x128xf32, #tpu.memory_space<vmem_shared>> -> memref<10112x128xf32, #tpu.memory_space<vmem_shared>>
        tpu.wait_indirect_dma semaphore(%run_scoped3A : memref<!tpu.dma_semaphore, #tpu.memory_space<semaphore_mem>>) src(%arg8 : memref<120x128xf32, #tpu.memory_space<vmem>>) dst(%dma_wait3A_29 : memref<10112x128xf32, #tpu.memory_space<vmem_shared>>)
        tpu.yield
      }) : () -> ()
      "tpu.region"() ({
        %run_scoped3A = tpu.sem_alloc : memref<!tpu.dma_semaphore, #tpu.memory_space<semaphore_mem>>
        %dma_start3A = arith.constant 0 : i32
        %dma_start3A_26 = arith.constant 0 : i32
        %dma_start3A_27 = tpu.memref_slice %arg9[%dma_start3A, %dma_start3A_26] : memref<10112x128xf32, #tpu.memory_space<vmem_shared>> -> memref<10112x128xf32, #tpu.memory_space<vmem_shared>>
        tpu.enqueue_indirect_dma source(%arg8 : memref<120x128xf32, #tpu.memory_space<vmem>>) target(%dma_start3A_27 : memref<10112x128xf32, #tpu.memory_space<vmem_shared>>) offsets(%arg7 : memref<120xi32, #tpu.memory_space<vmem>>) semaphore(%run_scoped3A : memref<!tpu.dma_semaphore, #tpu.memory_space<semaphore_mem>>) {add = true}
        %dma_wait3A = arith.constant 0 : i32
        %dma_wait3A_28 = arith.constant 0 : i32
        %dma_wait3A_29 = tpu.memref_slice %arg9[%dma_wait3A, %dma_wait3A_28] : memref<10112x128xf32, #tpu.memory_space<vmem_shared>> -> memref<10112x128xf32, #tpu.memory_space<vmem_shared>>
        tpu.wait_indirect_dma semaphore(%run_scoped3A : memref<!tpu.dma_semaphore, #tpu.memory_space<semaphore_mem>>) src(%arg8 : memref<120x128xf32, #tpu.memory_space<vmem>>) dst(%dma_wait3A_29 : memref<10112x128xf32, #tpu.memory_space<vmem_shared>>)
        tpu.yield
      }) : () -> ()
    }
    %scan3A_9 = arith.constant 42 : i32
    %barrier3A_10 = arith.constant 0 : index
    tpu.barrier barrier_id(%barrier3A_10)
    %mul3A_11 = arith.constant 632 : i32
    %mul3A_12 = arith.muli %arg1, %mul3A_11 : i32
    %mul3A_13 = arith.constant 10112 : i32
    %mul3A_14 = arith.muli %arg0, %mul3A_13 : i32
    %mul3A_15 = arith.constant 632 : i32
    %mul3A_16 = arith.muli %arg1, %mul3A_15 : i32
    %add3A_17 = arith.addi %mul3A_14, %mul3A_16 : i32
    "tpu.region"() ({
      %run_scoped3A = tpu.sem_alloc : memref<!tpu.dma_semaphore, #tpu.memory_space<semaphore_mem>>
      %dma_start3A = arith.constant 0 : i32
      %dma_start3A_18 = tpu.memref_slice %arg5[%add3A_17, %dma_start3A] : memref<20224x128xf32, #tpu.memory_space<hbm>> -> memref<632x128xf32, #tpu.memory_space<hbm>>
      %dma_start3A_19 = arith.constant 0 : i32
      %dma_start3A_20 = tpu.memref_slice %arg9[%mul3A_12, %dma_start3A_19] : memref<10112x128xf32, #tpu.memory_space<vmem_shared>> -> memref<632x128xf32, #tpu.memory_space<vmem_shared>>
      tpu.enqueue_dma source(%dma_start3A_20 : memref<632x128xf32, #tpu.memory_space<vmem_shared>>) target(%dma_start3A_18 : memref<632x128xf32, #tpu.memory_space<hbm>>) target_semaphore(%run_scoped3A : memref<!tpu.dma_semaphore, #tpu.memory_space<semaphore_mem>>)
      %dma_wait3A = arith.constant 0 : i32
      %dma_wait3A_21 = tpu.memref_slice %arg5[%add3A_17, %dma_wait3A] : memref<20224x128xf32, #tpu.memory_space<hbm>> -> memref<632x128xf32, #tpu.memory_space<hbm>>
      %dma_wait3A_22 = arith.constant 0 : i32
      %dma_wait3A_23 = tpu.memref_slice %arg9[%mul3A_12, %dma_wait3A_22] : memref<10112x128xf32, #tpu.memory_space<vmem_shared>> -> memref<632x128xf32, #tpu.memory_space<vmem_shared>>
      tpu.wait_dma2 semaphore(%run_scoped3A : memref<!tpu.dma_semaphore, #tpu.memory_space<semaphore_mem>>) src(%dma_wait3A_23 : memref<632x128xf32, #tpu.memory_space<vmem_shared>>) dst(%dma_wait3A_21 : memref<632x128xf32, #tpu.memory_space<hbm>>)
      tpu.yield
    }) : () -> ()
    return
  }
}

#map = affine_map<(d0, d1) -> (0, 0)>
#map1 = affine_map<(d0, d1) -> (0)>
module attributes {stable_mosaic.version = 14 : i64} {
  func.func @k(%arg0: i32, %arg1: i32, %arg2: memref<10000x128xf32, #tpu.memory_space<hbm>>, %arg3: memref<322560xi32, #tpu.memory_space<hbm>>, %arg4: memref<322560xi32, #tpu.memory_space<hbm>>, %arg5: memref<632x128xf32, #tpu.memory_space<hbm>>, %arg6: memref<20224x128xf32, #tpu.memory_space<hbm>>, %arg7: memref<120xi32, #tpu.memory_space<vmem>>, %arg8: memref<120xi32, #tpu.memory_space<vmem>>, %arg9: memref<120xi32, #tpu.memory_space<vmem>>, %arg10: memref<120xi32, #tpu.memory_space<vmem>>, %arg11: memref<120xi32, #tpu.memory_space<vmem>>, %arg12: memref<120xi32, #tpu.memory_space<vmem>>, %arg13: memref<120x128xf32, #tpu.memory_space<vmem>>, %arg14: memref<120x128xf32, #tpu.memory_space<vmem>>, %arg15: memref<120x128xf32, #tpu.memory_space<vmem>>, %arg16: memref<10112x128xf32, #tpu.memory_space<vmem_shared>>, %arg17: memref<!tpu.dma_semaphore, #tpu.memory_space<semaphore_mem>>, %arg18: memref<!tpu.dma_semaphore, #tpu.memory_space<semaphore_mem>>, %arg19: memref<!tpu.dma_semaphore, #tpu.memory_space<semaphore_mem>>) attributes {dimension_semantics = [#tpu.dimension_semantics<core_parallel>, #tpu.dimension_semantics<subcore_parallel>], iteration_bounds = array<i64: 2, 16>, scalar_prefetch = 0 : i64, scratch_operands = 13 : i64, tpu.core_type = #tpu.core_type<sc_vector_subcore>, window_params = [{transform_indices = #map}, {transform_indices = #map1}, {transform_indices = #map1}, {transform_indices = #map}, {transform_indices = #map}]} {
    %mul3A = arith.constant 632 : i32
    %mul3A_0 = arith.muli %arg1, %mul3A : i32
    "tpu.region"() ({
      %run_scoped3A = tpu.sem_alloc : memref<!tpu.dma_semaphore, #tpu.memory_space<semaphore_mem>>
      %dma_start3A_32 = arith.constant 0 : i32
      %dma_start3A_33 = tpu.memref_slice %arg16[%mul3A_0, %dma_start3A_32] : memref<10112x128xf32, #tpu.memory_space<vmem_shared>> -> memref<632x128xf32, #tpu.memory_space<vmem_shared>>
      tpu.enqueue_dma source(%arg5 : memref<632x128xf32, #tpu.memory_space<hbm>>) target(%dma_start3A_33 : memref<632x128xf32, #tpu.memory_space<vmem_shared>>) target_semaphore(%run_scoped3A : memref<!tpu.dma_semaphore, #tpu.memory_space<semaphore_mem>>)
      %dma_wait3A = arith.constant 0 : i32
      %dma_wait3A_34 = tpu.memref_slice %arg16[%mul3A_0, %dma_wait3A] : memref<10112x128xf32, #tpu.memory_space<vmem_shared>> -> memref<632x128xf32, #tpu.memory_space<vmem_shared>>
      tpu.wait_dma2 semaphore(%run_scoped3A : memref<!tpu.dma_semaphore, #tpu.memory_space<semaphore_mem>>) src(%arg5 : memref<632x128xf32, #tpu.memory_space<hbm>>) dst(%dma_wait3A_34 : memref<632x128xf32, #tpu.memory_space<vmem_shared>>)
      tpu.yield
    }) : () -> ()
    %barrier3A = arith.constant 0 : index
    tpu.barrier barrier_id(%barrier3A)
    %mul3A_1 = arith.constant 16 : i32
    %mul3A_2 = arith.muli %arg0, %mul3A_1 : i32
    %add3A = arith.addi %mul3A_2, %arg1 : i32
    %mul3A_3 = arith.constant 10080 : i32
    %mul3A_4 = arith.muli %add3A, %mul3A_3 : i32
    %add3A_5 = arith.constant 0 : i32
    %add3A_6 = arith.addi %mul3A_4, %add3A_5 : i32
    "tpu.region"() ({
      %run_scoped3A = tpu.sem_alloc : memref<!tpu.dma_semaphore, #tpu.memory_space<semaphore_mem>>
      %dma_start3A_32 = tpu.memref_slice %arg3[%add3A_6] : memref<322560xi32, #tpu.memory_space<hbm>> -> memref<120xi32, #tpu.memory_space<hbm>>
      %dma_start3A_33 = tpu.memref_slice %arg3[%add3A_6] : memref<322560xi32, #tpu.memory_space<hbm>> -> memref<120xi32, #tpu.memory_space<hbm>>
      tpu.enqueue_dma source(%dma_start3A_33 : memref<120xi32, #tpu.memory_space<hbm>>) target(%arg7 : memref<120xi32, #tpu.memory_space<vmem>>) target_semaphore(%run_scoped3A : memref<!tpu.dma_semaphore, #tpu.memory_space<semaphore_mem>>)
      %dma_wait3A = tpu.memref_slice %arg3[%add3A_6] : memref<322560xi32, #tpu.memory_space<hbm>> -> memref<120xi32, #tpu.memory_space<hbm>>
      %dma_wait3A_34 = tpu.memref_slice %arg3[%add3A_6] : memref<322560xi32, #tpu.memory_space<hbm>> -> memref<120xi32, #tpu.memory_space<hbm>>
      tpu.wait_dma2 semaphore(%run_scoped3A : memref<!tpu.dma_semaphore, #tpu.memory_space<semaphore_mem>>) src(%dma_wait3A_34 : memref<120xi32, #tpu.memory_space<hbm>>) dst(%arg7 : memref<120xi32, #tpu.memory_space<vmem>>)
      tpu.yield
    }) : () -> ()
    "tpu.region"() ({
      %run_scoped3A = tpu.sem_alloc : memref<!tpu.dma_semaphore, #tpu.memory_space<semaphore_mem>>
      %dma_start3A_32 = tpu.memref_slice %arg4[%add3A_6] : memref<322560xi32, #tpu.memory_space<hbm>> -> memref<120xi32, #tpu.memory_space<hbm>>
      %dma_start3A_33 = tpu.memref_slice %arg4[%add3A_6] : memref<322560xi32, #tpu.memory_space<hbm>> -> memref<120xi32, #tpu.memory_space<hbm>>
      tpu.enqueue_dma source(%dma_start3A_33 : memref<120xi32, #tpu.memory_space<hbm>>) target(%arg10 : memref<120xi32, #tpu.memory_space<vmem>>) target_semaphore(%run_scoped3A : memref<!tpu.dma_semaphore, #tpu.memory_space<semaphore_mem>>)
      %dma_wait3A = tpu.memref_slice %arg4[%add3A_6] : memref<322560xi32, #tpu.memory_space<hbm>> -> memref<120xi32, #tpu.memory_space<hbm>>
      %dma_wait3A_34 = tpu.memref_slice %arg4[%add3A_6] : memref<322560xi32, #tpu.memory_space<hbm>> -> memref<120xi32, #tpu.memory_space<hbm>>
      tpu.wait_dma2 semaphore(%run_scoped3A : memref<!tpu.dma_semaphore, #tpu.memory_space<semaphore_mem>>) src(%dma_wait3A_34 : memref<120xi32, #tpu.memory_space<hbm>>) dst(%arg10 : memref<120xi32, #tpu.memory_space<vmem>>)
      tpu.yield
    }) : () -> ()
    %dma_start3A = arith.constant 0 : i32
    %dma_start3A_7 = arith.constant 0 : i32
    %dma_start3A_8 = tpu.memref_slice %arg2[%dma_start3A, %dma_start3A_7] : memref<10000x128xf32, #tpu.memory_space<hbm>> -> memref<10000x128xf32, #tpu.memory_space<hbm>>
    tpu.enqueue_indirect_dma source(%dma_start3A_8 : memref<10000x128xf32, #tpu.memory_space<hbm>>) target(%arg13 : memref<120x128xf32, #tpu.memory_space<vmem>>) offsets(%arg7 : memref<120xi32, #tpu.memory_space<vmem>>) semaphore(%arg17 : memref<!tpu.dma_semaphore, #tpu.memory_space<semaphore_mem>>)
    %add3A_9 = arith.constant 120 : i32
    %add3A_10 = arith.addi %mul3A_4, %add3A_9 : i32
    "tpu.region"() ({
      %run_scoped3A = tpu.sem_alloc : memref<!tpu.dma_semaphore, #tpu.memory_space<semaphore_mem>>
      %dma_start3A_32 = tpu.memref_slice %arg3[%add3A_10] : memref<322560xi32, #tpu.memory_space<hbm>> -> memref<120xi32, #tpu.memory_space<hbm>>
      %dma_start3A_33 = tpu.memref_slice %arg3[%add3A_10] : memref<322560xi32, #tpu.memory_space<hbm>> -> memref<120xi32, #tpu.memory_space<hbm>>
      tpu.enqueue_dma source(%dma_start3A_33 : memref<120xi32, #tpu.memory_space<hbm>>) target(%arg8 : memref<120xi32, #tpu.memory_space<vmem>>) target_semaphore(%run_scoped3A : memref<!tpu.dma_semaphore, #tpu.memory_space<semaphore_mem>>)
      %dma_wait3A = tpu.memref_slice %arg3[%add3A_10] : memref<322560xi32, #tpu.memory_space<hbm>> -> memref<120xi32, #tpu.memory_space<hbm>>
      %dma_wait3A_34 = tpu.memref_slice %arg3[%add3A_10] : memref<322560xi32, #tpu.memory_space<hbm>> -> memref<120xi32, #tpu.memory_space<hbm>>
      tpu.wait_dma2 semaphore(%run_scoped3A : memref<!tpu.dma_semaphore, #tpu.memory_space<semaphore_mem>>) src(%dma_wait3A_34 : memref<120xi32, #tpu.memory_space<hbm>>) dst(%arg8 : memref<120xi32, #tpu.memory_space<vmem>>)
      tpu.yield
    }) : () -> ()
    "tpu.region"() ({
      %run_scoped3A = tpu.sem_alloc : memref<!tpu.dma_semaphore, #tpu.memory_space<semaphore_mem>>
      %dma_start3A_32 = tpu.memref_slice %arg4[%add3A_10] : memref<322560xi32, #tpu.memory_space<hbm>> -> memref<120xi32, #tpu.memory_space<hbm>>
      %dma_start3A_33 = tpu.memref_slice %arg4[%add3A_10] : memref<322560xi32, #tpu.memory_space<hbm>> -> memref<120xi32, #tpu.memory_space<hbm>>
      tpu.enqueue_dma source(%dma_start3A_33 : memref<120xi32, #tpu.memory_space<hbm>>) target(%arg11 : memref<120xi32, #tpu.memory_space<vmem>>) target_semaphore(%run_scoped3A : memref<!tpu.dma_semaphore, #tpu.memory_space<semaphore_mem>>)
      %dma_wait3A = tpu.memref_slice %arg4[%add3A_10] : memref<322560xi32, #tpu.memory_space<hbm>> -> memref<120xi32, #tpu.memory_space<hbm>>
      %dma_wait3A_34 = tpu.memref_slice %arg4[%add3A_10] : memref<322560xi32, #tpu.memory_space<hbm>> -> memref<120xi32, #tpu.memory_space<hbm>>
      tpu.wait_dma2 semaphore(%run_scoped3A : memref<!tpu.dma_semaphore, #tpu.memory_space<semaphore_mem>>) src(%dma_wait3A_34 : memref<120xi32, #tpu.memory_space<hbm>>) dst(%arg11 : memref<120xi32, #tpu.memory_space<vmem>>)
      tpu.yield
    }) : () -> ()
    %dma_start3A_11 = arith.constant 0 : i32
    %dma_start3A_12 = arith.constant 0 : i32
    %dma_start3A_13 = tpu.memref_slice %arg2[%dma_start3A_11, %dma_start3A_12] : memref<10000x128xf32, #tpu.memory_space<hbm>> -> memref<10000x128xf32, #tpu.memory_space<hbm>>
    tpu.enqueue_indirect_dma source(%dma_start3A_13 : memref<10000x128xf32, #tpu.memory_space<hbm>>) target(%arg14 : memref<120x128xf32, #tpu.memory_space<vmem>>) offsets(%arg8 : memref<120xi32, #tpu.memory_space<vmem>>) semaphore(%arg18 : memref<!tpu.dma_semaphore, #tpu.memory_space<semaphore_mem>>)
    %add3A_14 = arith.constant 240 : i32
    %add3A_15 = arith.addi %mul3A_4, %add3A_14 : i32
    "tpu.region"() ({
      %run_scoped3A = tpu.sem_alloc : memref<!tpu.dma_semaphore, #tpu.memory_space<semaphore_mem>>
      %dma_start3A_32 = tpu.memref_slice %arg3[%add3A_15] : memref<322560xi32, #tpu.memory_space<hbm>> -> memref<120xi32, #tpu.memory_space<hbm>>
      %dma_start3A_33 = tpu.memref_slice %arg3[%add3A_15] : memref<322560xi32, #tpu.memory_space<hbm>> -> memref<120xi32, #tpu.memory_space<hbm>>
      tpu.enqueue_dma source(%dma_start3A_33 : memref<120xi32, #tpu.memory_space<hbm>>) target(%arg9 : memref<120xi32, #tpu.memory_space<vmem>>) target_semaphore(%run_scoped3A : memref<!tpu.dma_semaphore, #tpu.memory_space<semaphore_mem>>)
      %dma_wait3A = tpu.memref_slice %arg3[%add3A_15] : memref<322560xi32, #tpu.memory_space<hbm>> -> memref<120xi32, #tpu.memory_space<hbm>>
      %dma_wait3A_34 = tpu.memref_slice %arg3[%add3A_15] : memref<322560xi32, #tpu.memory_space<hbm>> -> memref<120xi32, #tpu.memory_space<hbm>>
      tpu.wait_dma2 semaphore(%run_scoped3A : memref<!tpu.dma_semaphore, #tpu.memory_space<semaphore_mem>>) src(%dma_wait3A_34 : memref<120xi32, #tpu.memory_space<hbm>>) dst(%arg9 : memref<120xi32, #tpu.memory_space<vmem>>)
      tpu.yield
    }) : () -> ()
    "tpu.region"() ({
      %run_scoped3A = tpu.sem_alloc : memref<!tpu.dma_semaphore, #tpu.memory_space<semaphore_mem>>
      %dma_start3A_32 = tpu.memref_slice %arg4[%add3A_15] : memref<322560xi32, #tpu.memory_space<hbm>> -> memref<120xi32, #tpu.memory_space<hbm>>
      %dma_start3A_33 = tpu.memref_slice %arg4[%add3A_15] : memref<322560xi32, #tpu.memory_space<hbm>> -> memref<120xi32, #tpu.memory_space<hbm>>
      tpu.enqueue_dma source(%dma_start3A_33 : memref<120xi32, #tpu.memory_space<hbm>>) target(%arg12 : memref<120xi32, #tpu.memory_space<vmem>>) target_semaphore(%run_scoped3A : memref<!tpu.dma_semaphore, #tpu.memory_space<semaphore_mem>>)
      %dma_wait3A = tpu.memref_slice %arg4[%add3A_15] : memref<322560xi32, #tpu.memory_space<hbm>> -> memref<120xi32, #tpu.memory_space<hbm>>
      %dma_wait3A_34 = tpu.memref_slice %arg4[%add3A_15] : memref<322560xi32, #tpu.memory_space<hbm>> -> memref<120xi32, #tpu.memory_space<hbm>>
      tpu.wait_dma2 semaphore(%run_scoped3A : memref<!tpu.dma_semaphore, #tpu.memory_space<semaphore_mem>>) src(%dma_wait3A_34 : memref<120xi32, #tpu.memory_space<hbm>>) dst(%arg12 : memref<120xi32, #tpu.memory_space<vmem>>)
      tpu.yield
    }) : () -> ()
    %dma_start3A_16 = arith.constant 0 : i32
    %dma_start3A_17 = arith.constant 0 : i32
    %dma_start3A_18 = tpu.memref_slice %arg2[%dma_start3A_16, %dma_start3A_17] : memref<10000x128xf32, #tpu.memory_space<hbm>> -> memref<10000x128xf32, #tpu.memory_space<hbm>>
    tpu.enqueue_indirect_dma source(%dma_start3A_18 : memref<10000x128xf32, #tpu.memory_space<hbm>>) target(%arg15 : memref<120x128xf32, #tpu.memory_space<vmem>>) offsets(%arg9 : memref<120xi32, #tpu.memory_space<vmem>>) semaphore(%arg19 : memref<!tpu.dma_semaphore, #tpu.memory_space<semaphore_mem>>)
    %scan3A = arith.constant 0 : i32
    %scan3A_19 = arith.constant 0 : i32
    %scan3A_20 = arith.constant 28 : i32
    %scan3A_21 = arith.addi %scan3A_19, %scan3A_20 : i32
    %scan3A_22 = arith.constant 1 : i32
    scf.for %scan3A_32 = %scan3A_19 to %scan3A_21 step %scan3A_22  : i32 {
      %mul3A_33 = arith.constant 3 : i32
      %mul3A_34 = arith.muli %scan3A_32, %mul3A_33 : i32
      %dma_wait3A = arith.constant 0 : i32
      %dma_wait3A_35 = arith.constant 0 : i32
      %dma_wait3A_36 = tpu.memref_slice %arg2[%dma_wait3A, %dma_wait3A_35] : memref<10000x128xf32, #tpu.memory_space<hbm>> -> memref<10000x128xf32, #tpu.memory_space<hbm>>
      tpu.wait_indirect_dma semaphore(%arg17 : memref<!tpu.dma_semaphore, #tpu.memory_space<semaphore_mem>>) src(%dma_wait3A_36 : memref<10000x128xf32, #tpu.memory_space<hbm>>) dst(%arg13 : memref<120x128xf32, #tpu.memory_space<vmem>>)
      "tpu.region"() ({
        %run_scoped3A = tpu.sem_alloc : memref<!tpu.dma_semaphore, #tpu.memory_space<semaphore_mem>>
        %dma_start3A_55 = arith.constant 0 : i32
        %dma_start3A_56 = arith.constant 0 : i32
        %dma_start3A_57 = tpu.memref_slice %arg16[%dma_start3A_55, %dma_start3A_56] : memref<10112x128xf32, #tpu.memory_space<vmem_shared>> -> memref<10112x128xf32, #tpu.memory_space<vmem_shared>>
        tpu.enqueue_indirect_dma source(%arg13 : memref<120x128xf32, #tpu.memory_space<vmem>>) target(%dma_start3A_57 : memref<10112x128xf32, #tpu.memory_space<vmem_shared>>) offsets(%arg10 : memref<120xi32, #tpu.memory_space<vmem>>) semaphore(%run_scoped3A : memref<!tpu.dma_semaphore, #tpu.memory_space<semaphore_mem>>) {add = true}
        %dma_wait3A_58 = arith.constant 0 : i32
        %dma_wait3A_59 = arith.constant 0 : i32
        %dma_wait3A_60 = tpu.memref_slice %arg16[%dma_wait3A_58, %dma_wait3A_59] : memref<10112x128xf32, #tpu.memory_space<vmem_shared>> -> memref<10112x128xf32, #tpu.memory_space<vmem_shared>>
        tpu.wait_indirect_dma semaphore(%run_scoped3A : memref<!tpu.dma_semaphore, #tpu.memory_space<semaphore_mem>>) src(%arg13 : memref<120x128xf32, #tpu.memory_space<vmem>>) dst(%dma_wait3A_60 : memref<10112x128xf32, #tpu.memory_space<vmem_shared>>)
        tpu.yield
      }) : () -> ()
      %lt3A = arith.constant 27 : i32
      %lt3A_37 = arith.cmpi slt, %scan3A_32, %lt3A : i32
      %convert_element_type3A = arith.extui %lt3A_37 : i1 to i32
      %cond3A = arith.constant 0 : i32
      %cond3A_38 = arith.cmpi ne, %convert_element_type3A, %cond3A : i32
      scf.if %cond3A_38 {
        %add3A_55 = arith.constant 3 : i32
        %add3A_56 = arith.addi %mul3A_34, %add3A_55 : i32
        %add3A_57 = arith.constant 0 : i32
        %add3A_58 = arith.addi %add3A_56, %add3A_57 : i32
        %mul3A_59 = arith.constant 120 : i32
        %mul3A_60 = arith.muli %add3A_58, %mul3A_59 : i32
        %add3A_61 = arith.addi %mul3A_4, %mul3A_60 : i32
        "tpu.region"() ({
          %run_scoped3A = tpu.sem_alloc : memref<!tpu.dma_semaphore, #tpu.memory_space<semaphore_mem>>
          %dma_start3A_65 = tpu.memref_slice %arg3[%add3A_61] : memref<322560xi32, #tpu.memory_space<hbm>> -> memref<120xi32, #tpu.memory_space<hbm>>
          %dma_start3A_66 = tpu.memref_slice %arg3[%add3A_61] : memref<322560xi32, #tpu.memory_space<hbm>> -> memref<120xi32, #tpu.memory_space<hbm>>
          tpu.enqueue_dma source(%dma_start3A_66 : memref<120xi32, #tpu.memory_space<hbm>>) target(%arg7 : memref<120xi32, #tpu.memory_space<vmem>>) target_semaphore(%run_scoped3A : memref<!tpu.dma_semaphore, #tpu.memory_space<semaphore_mem>>)
          %dma_wait3A_67 = tpu.memref_slice %arg3[%add3A_61] : memref<322560xi32, #tpu.memory_space<hbm>> -> memref<120xi32, #tpu.memory_space<hbm>>
          %dma_wait3A_68 = tpu.memref_slice %arg3[%add3A_61] : memref<322560xi32, #tpu.memory_space<hbm>> -> memref<120xi32, #tpu.memory_space<hbm>>
          tpu.wait_dma2 semaphore(%run_scoped3A : memref<!tpu.dma_semaphore, #tpu.memory_space<semaphore_mem>>) src(%dma_wait3A_68 : memref<120xi32, #tpu.memory_space<hbm>>) dst(%arg7 : memref<120xi32, #tpu.memory_space<vmem>>)
          tpu.yield
        }) : () -> ()
        "tpu.region"() ({
          %run_scoped3A = tpu.sem_alloc : memref<!tpu.dma_semaphore, #tpu.memory_space<semaphore_mem>>
          %dma_start3A_65 = tpu.memref_slice %arg4[%add3A_61] : memref<322560xi32, #tpu.memory_space<hbm>> -> memref<120xi32, #tpu.memory_space<hbm>>
          %dma_start3A_66 = tpu.memref_slice %arg4[%add3A_61] : memref<322560xi32, #tpu.memory_space<hbm>> -> memref<120xi32, #tpu.memory_space<hbm>>
          tpu.enqueue_dma source(%dma_start3A_66 : memref<120xi32, #tpu.memory_space<hbm>>) target(%arg10 : memref<120xi32, #tpu.memory_space<vmem>>) target_semaphore(%run_scoped3A : memref<!tpu.dma_semaphore, #tpu.memory_space<semaphore_mem>>)
          %dma_wait3A_67 = tpu.memref_slice %arg4[%add3A_61] : memref<322560xi32, #tpu.memory_space<hbm>> -> memref<120xi32, #tpu.memory_space<hbm>>
          %dma_wait3A_68 = tpu.memref_slice %arg4[%add3A_61] : memref<322560xi32, #tpu.memory_space<hbm>> -> memref<120xi32, #tpu.memory_space<hbm>>
          tpu.wait_dma2 semaphore(%run_scoped3A : memref<!tpu.dma_semaphore, #tpu.memory_space<semaphore_mem>>) src(%dma_wait3A_68 : memref<120xi32, #tpu.memory_space<hbm>>) dst(%arg10 : memref<120xi32, #tpu.memory_space<vmem>>)
          tpu.yield
        }) : () -> ()
        %dma_start3A_62 = arith.constant 0 : i32
        %dma_start3A_63 = arith.constant 0 : i32
        %dma_start3A_64 = tpu.memref_slice %arg2[%dma_start3A_62, %dma_start3A_63] : memref<10000x128xf32, #tpu.memory_space<hbm>> -> memref<10000x128xf32, #tpu.memory_space<hbm>>
        tpu.enqueue_indirect_dma source(%dma_start3A_64 : memref<10000x128xf32, #tpu.memory_space<hbm>>) target(%arg13 : memref<120x128xf32, #tpu.memory_space<vmem>>) offsets(%arg7 : memref<120xi32, #tpu.memory_space<vmem>>) semaphore(%arg17 : memref<!tpu.dma_semaphore, #tpu.memory_space<semaphore_mem>>)
      } else {
      }
      %dma_wait3A_39 = arith.constant 0 : i32
      %dma_wait3A_40 = arith.constant 0 : i32
      %dma_wait3A_41 = tpu.memref_slice %arg2[%dma_wait3A_39, %dma_wait3A_40] : memref<10000x128xf32, #tpu.memory_space<hbm>> -> memref<10000x128xf32, #tpu.memory_space<hbm>>
      tpu.wait_indirect_dma semaphore(%arg18 : memref<!tpu.dma_semaphore, #tpu.memory_space<semaphore_mem>>) src(%dma_wait3A_41 : memref<10000x128xf32, #tpu.memory_space<hbm>>) dst(%arg14 : memref<120x128xf32, #tpu.memory_space<vmem>>)
      "tpu.region"() ({
        %run_scoped3A = tpu.sem_alloc : memref<!tpu.dma_semaphore, #tpu.memory_space<semaphore_mem>>
        %dma_start3A_55 = arith.constant 0 : i32
        %dma_start3A_56 = arith.constant 0 : i32
        %dma_start3A_57 = tpu.memref_slice %arg16[%dma_start3A_55, %dma_start3A_56] : memref<10112x128xf32, #tpu.memory_space<vmem_shared>> -> memref<10112x128xf32, #tpu.memory_space<vmem_shared>>
        tpu.enqueue_indirect_dma source(%arg14 : memref<120x128xf32, #tpu.memory_space<vmem>>) target(%dma_start3A_57 : memref<10112x128xf32, #tpu.memory_space<vmem_shared>>) offsets(%arg11 : memref<120xi32, #tpu.memory_space<vmem>>) semaphore(%run_scoped3A : memref<!tpu.dma_semaphore, #tpu.memory_space<semaphore_mem>>) {add = true}
        %dma_wait3A_58 = arith.constant 0 : i32
        %dma_wait3A_59 = arith.constant 0 : i32
        %dma_wait3A_60 = tpu.memref_slice %arg16[%dma_wait3A_58, %dma_wait3A_59] : memref<10112x128xf32, #tpu.memory_space<vmem_shared>> -> memref<10112x128xf32, #tpu.memory_space<vmem_shared>>
        tpu.wait_indirect_dma semaphore(%run_scoped3A : memref<!tpu.dma_semaphore, #tpu.memory_space<semaphore_mem>>) src(%arg14 : memref<120x128xf32, #tpu.memory_space<vmem>>) dst(%dma_wait3A_60 : memref<10112x128xf32, #tpu.memory_space<vmem_shared>>)
        tpu.yield
      }) : () -> ()
      %lt3A_42 = arith.constant 27 : i32
      %lt3A_43 = arith.cmpi slt, %scan3A_32, %lt3A_42 : i32
      %convert_element_type3A_44 = arith.extui %lt3A_43 : i1 to i32
      %cond3A_45 = arith.constant 0 : i32
      %cond3A_46 = arith.cmpi ne, %convert_element_type3A_44, %cond3A_45 : i32
      scf.if %cond3A_46 {
        %add3A_55 = arith.constant 3 : i32
        %add3A_56 = arith.addi %mul3A_34, %add3A_55 : i32
        %add3A_57 = arith.constant 1 : i32
        %add3A_58 = arith.addi %add3A_56, %add3A_57 : i32
        %mul3A_59 = arith.constant 120 : i32
        %mul3A_60 = arith.muli %add3A_58, %mul3A_59 : i32
        %add3A_61 = arith.addi %mul3A_4, %mul3A_60 : i32
        "tpu.region"() ({
          %run_scoped3A = tpu.sem_alloc : memref<!tpu.dma_semaphore, #tpu.memory_space<semaphore_mem>>
          %dma_start3A_65 = tpu.memref_slice %arg3[%add3A_61] : memref<322560xi32, #tpu.memory_space<hbm>> -> memref<120xi32, #tpu.memory_space<hbm>>
          %dma_start3A_66 = tpu.memref_slice %arg3[%add3A_61] : memref<322560xi32, #tpu.memory_space<hbm>> -> memref<120xi32, #tpu.memory_space<hbm>>
          tpu.enqueue_dma source(%dma_start3A_66 : memref<120xi32, #tpu.memory_space<hbm>>) target(%arg8 : memref<120xi32, #tpu.memory_space<vmem>>) target_semaphore(%run_scoped3A : memref<!tpu.dma_semaphore, #tpu.memory_space<semaphore_mem>>)
          %dma_wait3A_67 = tpu.memref_slice %arg3[%add3A_61] : memref<322560xi32, #tpu.memory_space<hbm>> -> memref<120xi32, #tpu.memory_space<hbm>>
          %dma_wait3A_68 = tpu.memref_slice %arg3[%add3A_61] : memref<322560xi32, #tpu.memory_space<hbm>> -> memref<120xi32, #tpu.memory_space<hbm>>
          tpu.wait_dma2 semaphore(%run_scoped3A : memref<!tpu.dma_semaphore, #tpu.memory_space<semaphore_mem>>) src(%dma_wait3A_68 : memref<120xi32, #tpu.memory_space<hbm>>) dst(%arg8 : memref<120xi32, #tpu.memory_space<vmem>>)
          tpu.yield
        }) : () -> ()
        "tpu.region"() ({
          %run_scoped3A = tpu.sem_alloc : memref<!tpu.dma_semaphore, #tpu.memory_space<semaphore_mem>>
          %dma_start3A_65 = tpu.memref_slice %arg4[%add3A_61] : memref<322560xi32, #tpu.memory_space<hbm>> -> memref<120xi32, #tpu.memory_space<hbm>>
          %dma_start3A_66 = tpu.memref_slice %arg4[%add3A_61] : memref<322560xi32, #tpu.memory_space<hbm>> -> memref<120xi32, #tpu.memory_space<hbm>>
          tpu.enqueue_dma source(%dma_start3A_66 : memref<120xi32, #tpu.memory_space<hbm>>) target(%arg11 : memref<120xi32, #tpu.memory_space<vmem>>) target_semaphore(%run_scoped3A : memref<!tpu.dma_semaphore, #tpu.memory_space<semaphore_mem>>)
          %dma_wait3A_67 = tpu.memref_slice %arg4[%add3A_61] : memref<322560xi32, #tpu.memory_space<hbm>> -> memref<120xi32, #tpu.memory_space<hbm>>
          %dma_wait3A_68 = tpu.memref_slice %arg4[%add3A_61] : memref<322560xi32, #tpu.memory_space<hbm>> -> memref<120xi32, #tpu.memory_space<hbm>>
          tpu.wait_dma2 semaphore(%run_scoped3A : memref<!tpu.dma_semaphore, #tpu.memory_space<semaphore_mem>>) src(%dma_wait3A_68 : memref<120xi32, #tpu.memory_space<hbm>>) dst(%arg11 : memref<120xi32, #tpu.memory_space<vmem>>)
          tpu.yield
        }) : () -> ()
        %dma_start3A_62 = arith.constant 0 : i32
        %dma_start3A_63 = arith.constant 0 : i32
        %dma_start3A_64 = tpu.memref_slice %arg2[%dma_start3A_62, %dma_start3A_63] : memref<10000x128xf32, #tpu.memory_space<hbm>> -> memref<10000x128xf32, #tpu.memory_space<hbm>>
        tpu.enqueue_indirect_dma source(%dma_start3A_64 : memref<10000x128xf32, #tpu.memory_space<hbm>>) target(%arg14 : memref<120x128xf32, #tpu.memory_space<vmem>>) offsets(%arg8 : memref<120xi32, #tpu.memory_space<vmem>>) semaphore(%arg18 : memref<!tpu.dma_semaphore, #tpu.memory_space<semaphore_mem>>)
      } else {
      }
      %dma_wait3A_47 = arith.constant 0 : i32
      %dma_wait3A_48 = arith.constant 0 : i32
      %dma_wait3A_49 = tpu.memref_slice %arg2[%dma_wait3A_47, %dma_wait3A_48] : memref<10000x128xf32, #tpu.memory_space<hbm>> -> memref<10000x128xf32, #tpu.memory_space<hbm>>
      tpu.wait_indirect_dma semaphore(%arg19 : memref<!tpu.dma_semaphore, #tpu.memory_space<semaphore_mem>>) src(%dma_wait3A_49 : memref<10000x128xf32, #tpu.memory_space<hbm>>) dst(%arg15 : memref<120x128xf32, #tpu.memory_space<vmem>>)
      "tpu.region"() ({
        %run_scoped3A = tpu.sem_alloc : memref<!tpu.dma_semaphore, #tpu.memory_space<semaphore_mem>>
        %dma_start3A_55 = arith.constant 0 : i32
        %dma_start3A_56 = arith.constant 0 : i32
        %dma_start3A_57 = tpu.memref_slice %arg16[%dma_start3A_55, %dma_start3A_56] : memref<10112x128xf32, #tpu.memory_space<vmem_shared>> -> memref<10112x128xf32, #tpu.memory_space<vmem_shared>>
        tpu.enqueue_indirect_dma source(%arg15 : memref<120x128xf32, #tpu.memory_space<vmem>>) target(%dma_start3A_57 : memref<10112x128xf32, #tpu.memory_space<vmem_shared>>) offsets(%arg12 : memref<120xi32, #tpu.memory_space<vmem>>) semaphore(%run_scoped3A : memref<!tpu.dma_semaphore, #tpu.memory_space<semaphore_mem>>) {add = true}
        %dma_wait3A_58 = arith.constant 0 : i32
        %dma_wait3A_59 = arith.constant 0 : i32
        %dma_wait3A_60 = tpu.memref_slice %arg16[%dma_wait3A_58, %dma_wait3A_59] : memref<10112x128xf32, #tpu.memory_space<vmem_shared>> -> memref<10112x128xf32, #tpu.memory_space<vmem_shared>>
        tpu.wait_indirect_dma semaphore(%run_scoped3A : memref<!tpu.dma_semaphore, #tpu.memory_space<semaphore_mem>>) src(%arg15 : memref<120x128xf32, #tpu.memory_space<vmem>>) dst(%dma_wait3A_60 : memref<10112x128xf32, #tpu.memory_space<vmem_shared>>)
        tpu.yield
      }) : () -> ()
      %lt3A_50 = arith.constant 27 : i32
      %lt3A_51 = arith.cmpi slt, %scan3A_32, %lt3A_50 : i32
      %convert_element_type3A_52 = arith.extui %lt3A_51 : i1 to i32
      %cond3A_53 = arith.constant 0 : i32
      %cond3A_54 = arith.cmpi ne, %convert_element_type3A_52, %cond3A_53 : i32
      scf.if %cond3A_54 {
        %add3A_55 = arith.constant 3 : i32
        %add3A_56 = arith.addi %mul3A_34, %add3A_55 : i32
        %add3A_57 = arith.constant 2 : i32
        %add3A_58 = arith.addi %add3A_56, %add3A_57 : i32
        %mul3A_59 = arith.constant 120 : i32
        %mul3A_60 = arith.muli %add3A_58, %mul3A_59 : i32
        %add3A_61 = arith.addi %mul3A_4, %mul3A_60 : i32
        "tpu.region"() ({
          %run_scoped3A = tpu.sem_alloc : memref<!tpu.dma_semaphore, #tpu.memory_space<semaphore_mem>>
          %dma_start3A_65 = tpu.memref_slice %arg3[%add3A_61] : memref<322560xi32, #tpu.memory_space<hbm>> -> memref<120xi32, #tpu.memory_space<hbm>>
          %dma_start3A_66 = tpu.memref_slice %arg3[%add3A_61] : memref<322560xi32, #tpu.memory_space<hbm>> -> memref<120xi32, #tpu.memory_space<hbm>>
          tpu.enqueue_dma source(%dma_start3A_66 : memref<120xi32, #tpu.memory_space<hbm>>) target(%arg9 : memref<120xi32, #tpu.memory_space<vmem>>) target_semaphore(%run_scoped3A : memref<!tpu.dma_semaphore, #tpu.memory_space<semaphore_mem>>)
          %dma_wait3A_67 = tpu.memref_slice %arg3[%add3A_61] : memref<322560xi32, #tpu.memory_space<hbm>> -> memref<120xi32, #tpu.memory_space<hbm>>
          %dma_wait3A_68 = tpu.memref_slice %arg3[%add3A_61] : memref<322560xi32, #tpu.memory_space<hbm>> -> memref<120xi32, #tpu.memory_space<hbm>>
          tpu.wait_dma2 semaphore(%run_scoped3A : memref<!tpu.dma_semaphore, #tpu.memory_space<semaphore_mem>>) src(%dma_wait3A_68 : memref<120xi32, #tpu.memory_space<hbm>>) dst(%arg9 : memref<120xi32, #tpu.memory_space<vmem>>)
          tpu.yield
        }) : () -> ()
        "tpu.region"() ({
          %run_scoped3A = tpu.sem_alloc : memref<!tpu.dma_semaphore, #tpu.memory_space<semaphore_mem>>
          %dma_start3A_65 = tpu.memref_slice %arg4[%add3A_61] : memref<322560xi32, #tpu.memory_space<hbm>> -> memref<120xi32, #tpu.memory_space<hbm>>
          %dma_start3A_66 = tpu.memref_slice %arg4[%add3A_61] : memref<322560xi32, #tpu.memory_space<hbm>> -> memref<120xi32, #tpu.memory_space<hbm>>
          tpu.enqueue_dma source(%dma_start3A_66 : memref<120xi32, #tpu.memory_space<hbm>>) target(%arg12 : memref<120xi32, #tpu.memory_space<vmem>>) target_semaphore(%run_scoped3A : memref<!tpu.dma_semaphore, #tpu.memory_space<semaphore_mem>>)
          %dma_wait3A_67 = tpu.memref_slice %arg4[%add3A_61] : memref<322560xi32, #tpu.memory_space<hbm>> -> memref<120xi32, #tpu.memory_space<hbm>>
          %dma_wait3A_68 = tpu.memref_slice %arg4[%add3A_61] : memref<322560xi32, #tpu.memory_space<hbm>> -> memref<120xi32, #tpu.memory_space<hbm>>
          tpu.wait_dma2 semaphore(%run_scoped3A : memref<!tpu.dma_semaphore, #tpu.memory_space<semaphore_mem>>) src(%dma_wait3A_68 : memref<120xi32, #tpu.memory_space<hbm>>) dst(%arg12 : memref<120xi32, #tpu.memory_space<vmem>>)
          tpu.yield
        }) : () -> ()
        %dma_start3A_62 = arith.constant 0 : i32
        %dma_start3A_63 = arith.constant 0 : i32
        %dma_start3A_64 = tpu.memref_slice %arg2[%dma_start3A_62, %dma_start3A_63] : memref<10000x128xf32, #tpu.memory_space<hbm>> -> memref<10000x128xf32, #tpu.memory_space<hbm>>
        tpu.enqueue_indirect_dma source(%dma_start3A_64 : memref<10000x128xf32, #tpu.memory_space<hbm>>) target(%arg15 : memref<120x128xf32, #tpu.memory_space<vmem>>) offsets(%arg9 : memref<120xi32, #tpu.memory_space<vmem>>) semaphore(%arg19 : memref<!tpu.dma_semaphore, #tpu.memory_space<semaphore_mem>>)
      } else {
      }
    }
    %scan3A_23 = arith.constant 28 : i32
    %barrier3A_24 = arith.constant 0 : index
    tpu.barrier barrier_id(%barrier3A_24)
    %mul3A_25 = arith.constant 632 : i32
    %mul3A_26 = arith.muli %arg1, %mul3A_25 : i32
    %mul3A_27 = arith.constant 10112 : i32
    %mul3A_28 = arith.muli %arg0, %mul3A_27 : i32
    %mul3A_29 = arith.constant 632 : i32
    %mul3A_30 = arith.muli %arg1, %mul3A_29 : i32
    %add3A_31 = arith.addi %mul3A_28, %mul3A_30 : i32
    "tpu.region"() ({
      %run_scoped3A = tpu.sem_alloc : memref<!tpu.dma_semaphore, #tpu.memory_space<semaphore_mem>>
      %dma_start3A_32 = arith.constant 0 : i32
      %dma_start3A_33 = tpu.memref_slice %arg6[%add3A_31, %dma_start3A_32] : memref<20224x128xf32, #tpu.memory_space<hbm>> -> memref<632x128xf32, #tpu.memory_space<hbm>>
      %dma_start3A_34 = arith.constant 0 : i32
      %dma_start3A_35 = tpu.memref_slice %arg16[%mul3A_26, %dma_start3A_34] : memref<10112x128xf32, #tpu.memory_space<vmem_shared>> -> memref<632x128xf32, #tpu.memory_space<vmem_shared>>
      tpu.enqueue_dma source(%dma_start3A_35 : memref<632x128xf32, #tpu.memory_space<vmem_shared>>) target(%dma_start3A_33 : memref<632x128xf32, #tpu.memory_space<hbm>>) target_semaphore(%run_scoped3A : memref<!tpu.dma_semaphore, #tpu.memory_space<semaphore_mem>>)
      %dma_wait3A = arith.constant 0 : i32
      %dma_wait3A_36 = tpu.memref_slice %arg6[%add3A_31, %dma_wait3A] : memref<20224x128xf32, #tpu.memory_space<hbm>> -> memref<632x128xf32, #tpu.memory_space<hbm>>
      %dma_wait3A_37 = arith.constant 0 : i32
      %dma_wait3A_38 = tpu.memref_slice %arg16[%mul3A_26, %dma_wait3A_37] : memref<10112x128xf32, #tpu.memory_space<vmem_shared>> -> memref<632x128xf32, #tpu.memory_space<vmem_shared>>
      tpu.wait_dma2 semaphore(%run_scoped3A : memref<!tpu.dma_semaphore, #tpu.memory_space<semaphore_mem>>) src(%dma_wait3A_38 : memref<632x128xf32, #tpu.memory_space<vmem_shared>>) dst(%dma_wait3A_36 : memref<632x128xf32, #tpu.memory_space<hbm>>)
      tpu.yield
    }) : () -> ()
    return
  }
}

#map = affine_map<(d0, d1) -> (0, 0)>
#map1 = affine_map<(d0, d1) -> (0)>
module attributes {stable_mosaic.version = 14 : i64} {
  func.func @k(%arg0: i32, %arg1: i32, %arg2: memref<10000x128xf32, #tpu.memory_space<hbm>>, %arg3: memref<322560xi32, #tpu.memory_space<hbm>>, %arg4: memref<322560xi32, #tpu.memory_space<hbm>>, %arg5: memref<632x128xf32, #tpu.memory_space<hbm>>, %arg6: memref<20224x128xf32, #tpu.memory_space<hbm>>, %arg7: memref<120xi32, #tpu.memory_space<vmem>>, %arg8: memref<120xi32, #tpu.memory_space<vmem>>, %arg9: memref<120xi32, #tpu.memory_space<vmem>>, %arg10: memref<120xi32, #tpu.memory_space<vmem>>, %arg11: memref<120xi32, #tpu.memory_space<vmem>>, %arg12: memref<120xi32, #tpu.memory_space<vmem>>, %arg13: memref<120x128xf32, #tpu.memory_space<vmem>>, %arg14: memref<120x128xf32, #tpu.memory_space<vmem>>, %arg15: memref<120x128xf32, #tpu.memory_space<vmem>>, %arg16: memref<10112x128xf32, #tpu.memory_space<vmem_shared>>, %arg17: memref<!tpu.dma_semaphore, #tpu.memory_space<semaphore_mem>>, %arg18: memref<!tpu.dma_semaphore, #tpu.memory_space<semaphore_mem>>, %arg19: memref<!tpu.dma_semaphore, #tpu.memory_space<semaphore_mem>>) attributes {dimension_semantics = [#tpu.dimension_semantics<core_parallel>, #tpu.dimension_semantics<subcore_parallel>], iteration_bounds = array<i64: 2, 16>, scalar_prefetch = 0 : i64, scratch_operands = 13 : i64, tpu.core_type = #tpu.core_type<sc_vector_subcore>, window_params = [{transform_indices = #map}, {transform_indices = #map1}, {transform_indices = #map1}, {transform_indices = #map}, {transform_indices = #map}]} {
    %mul3A = arith.constant 632 : i32
    %mul3A_0 = arith.muli %arg1, %mul3A : i32
    "tpu.region"() ({
      %run_scoped3A = tpu.sem_alloc : memref<!tpu.dma_semaphore, #tpu.memory_space<semaphore_mem>>
      %dma_start3A_32 = arith.constant 0 : i32
      %dma_start3A_33 = tpu.memref_slice %arg16[%mul3A_0, %dma_start3A_32] : memref<10112x128xf32, #tpu.memory_space<vmem_shared>> -> memref<632x128xf32, #tpu.memory_space<vmem_shared>>
      tpu.enqueue_dma source(%arg5 : memref<632x128xf32, #tpu.memory_space<hbm>>) target(%dma_start3A_33 : memref<632x128xf32, #tpu.memory_space<vmem_shared>>) target_semaphore(%run_scoped3A : memref<!tpu.dma_semaphore, #tpu.memory_space<semaphore_mem>>)
      %dma_wait3A = arith.constant 0 : i32
      %dma_wait3A_34 = tpu.memref_slice %arg16[%mul3A_0, %dma_wait3A] : memref<10112x128xf32, #tpu.memory_space<vmem_shared>> -> memref<632x128xf32, #tpu.memory_space<vmem_shared>>
      tpu.wait_dma2 semaphore(%run_scoped3A : memref<!tpu.dma_semaphore, #tpu.memory_space<semaphore_mem>>) src(%arg5 : memref<632x128xf32, #tpu.memory_space<hbm>>) dst(%dma_wait3A_34 : memref<632x128xf32, #tpu.memory_space<vmem_shared>>)
      tpu.yield
    }) : () -> ()
    %barrier3A = arith.constant 0 : index
    tpu.barrier barrier_id(%barrier3A)
    %mul3A_1 = arith.constant 16 : i32
    %mul3A_2 = arith.muli %arg0, %mul3A_1 : i32
    %add3A = arith.addi %mul3A_2, %arg1 : i32
    %mul3A_3 = arith.constant 10080 : i32
    %mul3A_4 = arith.muli %add3A, %mul3A_3 : i32
    %add3A_5 = arith.constant 0 : i32
    %add3A_6 = arith.addi %mul3A_4, %add3A_5 : i32
    "tpu.region"() ({
      %run_scoped3A = tpu.sem_alloc : memref<!tpu.dma_semaphore, #tpu.memory_space<semaphore_mem>>
      %dma_start3A_32 = tpu.memref_slice %arg3[%add3A_6] : memref<322560xi32, #tpu.memory_space<hbm>> -> memref<120xi32, #tpu.memory_space<hbm>>
      %dma_start3A_33 = tpu.memref_slice %arg3[%add3A_6] : memref<322560xi32, #tpu.memory_space<hbm>> -> memref<120xi32, #tpu.memory_space<hbm>>
      tpu.enqueue_dma source(%dma_start3A_33 : memref<120xi32, #tpu.memory_space<hbm>>) target(%arg7 : memref<120xi32, #tpu.memory_space<vmem>>) target_semaphore(%run_scoped3A : memref<!tpu.dma_semaphore, #tpu.memory_space<semaphore_mem>>)
      %dma_wait3A = tpu.memref_slice %arg3[%add3A_6] : memref<322560xi32, #tpu.memory_space<hbm>> -> memref<120xi32, #tpu.memory_space<hbm>>
      %dma_wait3A_34 = tpu.memref_slice %arg3[%add3A_6] : memref<322560xi32, #tpu.memory_space<hbm>> -> memref<120xi32, #tpu.memory_space<hbm>>
      tpu.wait_dma2 semaphore(%run_scoped3A : memref<!tpu.dma_semaphore, #tpu.memory_space<semaphore_mem>>) src(%dma_wait3A_34 : memref<120xi32, #tpu.memory_space<hbm>>) dst(%arg7 : memref<120xi32, #tpu.memory_space<vmem>>)
      tpu.yield
    }) : () -> ()
    "tpu.region"() ({
      %run_scoped3A = tpu.sem_alloc : memref<!tpu.dma_semaphore, #tpu.memory_space<semaphore_mem>>
      %dma_start3A_32 = tpu.memref_slice %arg4[%add3A_6] : memref<322560xi32, #tpu.memory_space<hbm>> -> memref<120xi32, #tpu.memory_space<hbm>>
      %dma_start3A_33 = tpu.memref_slice %arg4[%add3A_6] : memref<322560xi32, #tpu.memory_space<hbm>> -> memref<120xi32, #tpu.memory_space<hbm>>
      tpu.enqueue_dma source(%dma_start3A_33 : memref<120xi32, #tpu.memory_space<hbm>>) target(%arg10 : memref<120xi32, #tpu.memory_space<vmem>>) target_semaphore(%run_scoped3A : memref<!tpu.dma_semaphore, #tpu.memory_space<semaphore_mem>>)
      %dma_wait3A = tpu.memref_slice %arg4[%add3A_6] : memref<322560xi32, #tpu.memory_space<hbm>> -> memref<120xi32, #tpu.memory_space<hbm>>
      %dma_wait3A_34 = tpu.memref_slice %arg4[%add3A_6] : memref<322560xi32, #tpu.memory_space<hbm>> -> memref<120xi32, #tpu.memory_space<hbm>>
      tpu.wait_dma2 semaphore(%run_scoped3A : memref<!tpu.dma_semaphore, #tpu.memory_space<semaphore_mem>>) src(%dma_wait3A_34 : memref<120xi32, #tpu.memory_space<hbm>>) dst(%arg10 : memref<120xi32, #tpu.memory_space<vmem>>)
      tpu.yield
    }) : () -> ()
    %dma_start3A = arith.constant 0 : i32
    %dma_start3A_7 = arith.constant 0 : i32
    %dma_start3A_8 = tpu.memref_slice %arg2[%dma_start3A, %dma_start3A_7] : memref<10000x128xf32, #tpu.memory_space<hbm>> -> memref<10000x128xf32, #tpu.memory_space<hbm>>
    tpu.enqueue_indirect_dma source(%dma_start3A_8 : memref<10000x128xf32, #tpu.memory_space<hbm>>) target(%arg13 : memref<120x128xf32, #tpu.memory_space<vmem>>) offsets(%arg7 : memref<120xi32, #tpu.memory_space<vmem>>) semaphore(%arg17 : memref<!tpu.dma_semaphore, #tpu.memory_space<semaphore_mem>>)
    %add3A_9 = arith.constant 120 : i32
    %add3A_10 = arith.addi %mul3A_4, %add3A_9 : i32
    "tpu.region"() ({
      %run_scoped3A = tpu.sem_alloc : memref<!tpu.dma_semaphore, #tpu.memory_space<semaphore_mem>>
      %dma_start3A_32 = tpu.memref_slice %arg3[%add3A_10] : memref<322560xi32, #tpu.memory_space<hbm>> -> memref<120xi32, #tpu.memory_space<hbm>>
      %dma_start3A_33 = tpu.memref_slice %arg3[%add3A_10] : memref<322560xi32, #tpu.memory_space<hbm>> -> memref<120xi32, #tpu.memory_space<hbm>>
      tpu.enqueue_dma source(%dma_start3A_33 : memref<120xi32, #tpu.memory_space<hbm>>) target(%arg8 : memref<120xi32, #tpu.memory_space<vmem>>) target_semaphore(%run_scoped3A : memref<!tpu.dma_semaphore, #tpu.memory_space<semaphore_mem>>)
      %dma_wait3A = tpu.memref_slice %arg3[%add3A_10] : memref<322560xi32, #tpu.memory_space<hbm>> -> memref<120xi32, #tpu.memory_space<hbm>>
      %dma_wait3A_34 = tpu.memref_slice %arg3[%add3A_10] : memref<322560xi32, #tpu.memory_space<hbm>> -> memref<120xi32, #tpu.memory_space<hbm>>
      tpu.wait_dma2 semaphore(%run_scoped3A : memref<!tpu.dma_semaphore, #tpu.memory_space<semaphore_mem>>) src(%dma_wait3A_34 : memref<120xi32, #tpu.memory_space<hbm>>) dst(%arg8 : memref<120xi32, #tpu.memory_space<vmem>>)
      tpu.yield
    }) : () -> ()
    "tpu.region"() ({
      %run_scoped3A = tpu.sem_alloc : memref<!tpu.dma_semaphore, #tpu.memory_space<semaphore_mem>>
      %dma_start3A_32 = tpu.memref_slice %arg4[%add3A_10] : memref<322560xi32, #tpu.memory_space<hbm>> -> memref<120xi32, #tpu.memory_space<hbm>>
      %dma_start3A_33 = tpu.memref_slice %arg4[%add3A_10] : memref<322560xi32, #tpu.memory_space<hbm>> -> memref<120xi32, #tpu.memory_space<hbm>>
      tpu.enqueue_dma source(%dma_start3A_33 : memref<120xi32, #tpu.memory_space<hbm>>) target(%arg11 : memref<120xi32, #tpu.memory_space<vmem>>) target_semaphore(%run_scoped3A : memref<!tpu.dma_semaphore, #tpu.memory_space<semaphore_mem>>)
      %dma_wait3A = tpu.memref_slice %arg4[%add3A_10] : memref<322560xi32, #tpu.memory_space<hbm>> -> memref<120xi32, #tpu.memory_space<hbm>>
      %dma_wait3A_34 = tpu.memref_slice %arg4[%add3A_10] : memref<322560xi32, #tpu.memory_space<hbm>> -> memref<120xi32, #tpu.memory_space<hbm>>
      tpu.wait_dma2 semaphore(%run_scoped3A : memref<!tpu.dma_semaphore, #tpu.memory_space<semaphore_mem>>) src(%dma_wait3A_34 : memref<120xi32, #tpu.memory_space<hbm>>) dst(%arg11 : memref<120xi32, #tpu.memory_space<vmem>>)
      tpu.yield
    }) : () -> ()
    %dma_start3A_11 = arith.constant 0 : i32
    %dma_start3A_12 = arith.constant 0 : i32
    %dma_start3A_13 = tpu.memref_slice %arg2[%dma_start3A_11, %dma_start3A_12] : memref<10000x128xf32, #tpu.memory_space<hbm>> -> memref<10000x128xf32, #tpu.memory_space<hbm>>
    tpu.enqueue_indirect_dma source(%dma_start3A_13 : memref<10000x128xf32, #tpu.memory_space<hbm>>) target(%arg14 : memref<120x128xf32, #tpu.memory_space<vmem>>) offsets(%arg8 : memref<120xi32, #tpu.memory_space<vmem>>) semaphore(%arg18 : memref<!tpu.dma_semaphore, #tpu.memory_space<semaphore_mem>>)
    %add3A_14 = arith.constant 240 : i32
    %add3A_15 = arith.addi %mul3A_4, %add3A_14 : i32
    "tpu.region"() ({
      %run_scoped3A = tpu.sem_alloc : memref<!tpu.dma_semaphore, #tpu.memory_space<semaphore_mem>>
      %dma_start3A_32 = tpu.memref_slice %arg3[%add3A_15] : memref<322560xi32, #tpu.memory_space<hbm>> -> memref<120xi32, #tpu.memory_space<hbm>>
      %dma_start3A_33 = tpu.memref_slice %arg3[%add3A_15] : memref<322560xi32, #tpu.memory_space<hbm>> -> memref<120xi32, #tpu.memory_space<hbm>>
      tpu.enqueue_dma source(%dma_start3A_33 : memref<120xi32, #tpu.memory_space<hbm>>) target(%arg9 : memref<120xi32, #tpu.memory_space<vmem>>) target_semaphore(%run_scoped3A : memref<!tpu.dma_semaphore, #tpu.memory_space<semaphore_mem>>)
      %dma_wait3A = tpu.memref_slice %arg3[%add3A_15] : memref<322560xi32, #tpu.memory_space<hbm>> -> memref<120xi32, #tpu.memory_space<hbm>>
      %dma_wait3A_34 = tpu.memref_slice %arg3[%add3A_15] : memref<322560xi32, #tpu.memory_space<hbm>> -> memref<120xi32, #tpu.memory_space<hbm>>
      tpu.wait_dma2 semaphore(%run_scoped3A : memref<!tpu.dma_semaphore, #tpu.memory_space<semaphore_mem>>) src(%dma_wait3A_34 : memref<120xi32, #tpu.memory_space<hbm>>) dst(%arg9 : memref<120xi32, #tpu.memory_space<vmem>>)
      tpu.yield
    }) : () -> ()
    "tpu.region"() ({
      %run_scoped3A = tpu.sem_alloc : memref<!tpu.dma_semaphore, #tpu.memory_space<semaphore_mem>>
      %dma_start3A_32 = tpu.memref_slice %arg4[%add3A_15] : memref<322560xi32, #tpu.memory_space<hbm>> -> memref<120xi32, #tpu.memory_space<hbm>>
      %dma_start3A_33 = tpu.memref_slice %arg4[%add3A_15] : memref<322560xi32, #tpu.memory_space<hbm>> -> memref<120xi32, #tpu.memory_space<hbm>>
      tpu.enqueue_dma source(%dma_start3A_33 : memref<120xi32, #tpu.memory_space<hbm>>) target(%arg12 : memref<120xi32, #tpu.memory_space<vmem>>) target_semaphore(%run_scoped3A : memref<!tpu.dma_semaphore, #tpu.memory_space<semaphore_mem>>)
      %dma_wait3A = tpu.memref_slice %arg4[%add3A_15] : memref<322560xi32, #tpu.memory_space<hbm>> -> memref<120xi32, #tpu.memory_space<hbm>>
      %dma_wait3A_34 = tpu.memref_slice %arg4[%add3A_15] : memref<322560xi32, #tpu.memory_space<hbm>> -> memref<120xi32, #tpu.memory_space<hbm>>
      tpu.wait_dma2 semaphore(%run_scoped3A : memref<!tpu.dma_semaphore, #tpu.memory_space<semaphore_mem>>) src(%dma_wait3A_34 : memref<120xi32, #tpu.memory_space<hbm>>) dst(%arg12 : memref<120xi32, #tpu.memory_space<vmem>>)
      tpu.yield
    }) : () -> ()
    %dma_start3A_16 = arith.constant 0 : i32
    %dma_start3A_17 = arith.constant 0 : i32
    %dma_start3A_18 = tpu.memref_slice %arg2[%dma_start3A_16, %dma_start3A_17] : memref<10000x128xf32, #tpu.memory_space<hbm>> -> memref<10000x128xf32, #tpu.memory_space<hbm>>
    tpu.enqueue_indirect_dma source(%dma_start3A_18 : memref<10000x128xf32, #tpu.memory_space<hbm>>) target(%arg15 : memref<120x128xf32, #tpu.memory_space<vmem>>) offsets(%arg9 : memref<120xi32, #tpu.memory_space<vmem>>) semaphore(%arg19 : memref<!tpu.dma_semaphore, #tpu.memory_space<semaphore_mem>>)
    %scan3A = arith.constant 0 : i32
    %scan3A_19 = arith.constant 0 : i32
    %scan3A_20 = arith.constant 28 : i32
    %scan3A_21 = arith.addi %scan3A_19, %scan3A_20 : i32
    %scan3A_22 = arith.constant 1 : i32
    scf.for %scan3A_32 = %scan3A_19 to %scan3A_21 step %scan3A_22  : i32 {
      %mul3A_33 = arith.constant 3 : i32
      %mul3A_34 = arith.muli %scan3A_32, %mul3A_33 : i32
      %dma_wait3A = arith.constant 0 : i32
      %dma_wait3A_35 = arith.constant 0 : i32
      %dma_wait3A_36 = tpu.memref_slice %arg2[%dma_wait3A, %dma_wait3A_35] : memref<10000x128xf32, #tpu.memory_space<hbm>> -> memref<10000x128xf32, #tpu.memory_space<hbm>>
      tpu.wait_indirect_dma semaphore(%arg17 : memref<!tpu.dma_semaphore, #tpu.memory_space<semaphore_mem>>) src(%dma_wait3A_36 : memref<10000x128xf32, #tpu.memory_space<hbm>>) dst(%arg13 : memref<120x128xf32, #tpu.memory_space<vmem>>)
      "tpu.region"() ({
        %run_scoped3A = tpu.sem_alloc : memref<!tpu.dma_semaphore, #tpu.memory_space<semaphore_mem>>
        %dma_start3A_55 = arith.constant 0 : i32
        %dma_start3A_56 = arith.constant 0 : i32
        %dma_start3A_57 = tpu.memref_slice %arg16[%dma_start3A_55, %dma_start3A_56] : memref<10112x128xf32, #tpu.memory_space<vmem_shared>> -> memref<10112x128xf32, #tpu.memory_space<vmem_shared>>
        tpu.enqueue_indirect_dma source(%arg13 : memref<120x128xf32, #tpu.memory_space<vmem>>) target(%dma_start3A_57 : memref<10112x128xf32, #tpu.memory_space<vmem_shared>>) offsets(%arg10 : memref<120xi32, #tpu.memory_space<vmem>>) semaphore(%run_scoped3A : memref<!tpu.dma_semaphore, #tpu.memory_space<semaphore_mem>>) {add = true}
        %dma_wait3A_58 = arith.constant 0 : i32
        %dma_wait3A_59 = arith.constant 0 : i32
        %dma_wait3A_60 = tpu.memref_slice %arg16[%dma_wait3A_58, %dma_wait3A_59] : memref<10112x128xf32, #tpu.memory_space<vmem_shared>> -> memref<10112x128xf32, #tpu.memory_space<vmem_shared>>
        tpu.wait_indirect_dma semaphore(%run_scoped3A : memref<!tpu.dma_semaphore, #tpu.memory_space<semaphore_mem>>) src(%arg13 : memref<120x128xf32, #tpu.memory_space<vmem>>) dst(%dma_wait3A_60 : memref<10112x128xf32, #tpu.memory_space<vmem_shared>>)
        tpu.yield
      }) : () -> ()
      %lt3A = arith.constant 27 : i32
      %lt3A_37 = arith.cmpi slt, %scan3A_32, %lt3A : i32
      %convert_element_type3A = arith.extui %lt3A_37 : i1 to i32
      %cond3A = arith.constant 0 : i32
      %cond3A_38 = arith.cmpi ne, %convert_element_type3A, %cond3A : i32
      scf.if %cond3A_38 {
        %add3A_55 = arith.constant 3 : i32
        %add3A_56 = arith.addi %mul3A_34, %add3A_55 : i32
        %add3A_57 = arith.constant 0 : i32
        %add3A_58 = arith.addi %add3A_56, %add3A_57 : i32
        %mul3A_59 = arith.constant 120 : i32
        %mul3A_60 = arith.muli %add3A_58, %mul3A_59 : i32
        %add3A_61 = arith.addi %mul3A_4, %mul3A_60 : i32
        "tpu.region"() ({
          %run_scoped3A = tpu.sem_alloc : memref<!tpu.dma_semaphore, #tpu.memory_space<semaphore_mem>>
          %dma_start3A_65 = tpu.memref_slice %arg3[%add3A_61] : memref<322560xi32, #tpu.memory_space<hbm>> -> memref<120xi32, #tpu.memory_space<hbm>>
          %dma_start3A_66 = tpu.memref_slice %arg3[%add3A_61] : memref<322560xi32, #tpu.memory_space<hbm>> -> memref<120xi32, #tpu.memory_space<hbm>>
          tpu.enqueue_dma source(%dma_start3A_66 : memref<120xi32, #tpu.memory_space<hbm>>) target(%arg7 : memref<120xi32, #tpu.memory_space<vmem>>) target_semaphore(%run_scoped3A : memref<!tpu.dma_semaphore, #tpu.memory_space<semaphore_mem>>)
          %dma_wait3A_67 = tpu.memref_slice %arg3[%add3A_61] : memref<322560xi32, #tpu.memory_space<hbm>> -> memref<120xi32, #tpu.memory_space<hbm>>
          %dma_wait3A_68 = tpu.memref_slice %arg3[%add3A_61] : memref<322560xi32, #tpu.memory_space<hbm>> -> memref<120xi32, #tpu.memory_space<hbm>>
          tpu.wait_dma2 semaphore(%run_scoped3A : memref<!tpu.dma_semaphore, #tpu.memory_space<semaphore_mem>>) src(%dma_wait3A_68 : memref<120xi32, #tpu.memory_space<hbm>>) dst(%arg7 : memref<120xi32, #tpu.memory_space<vmem>>)
          tpu.yield
        }) : () -> ()
        "tpu.region"() ({
          %run_scoped3A = tpu.sem_alloc : memref<!tpu.dma_semaphore, #tpu.memory_space<semaphore_mem>>
          %dma_start3A_65 = tpu.memref_slice %arg4[%add3A_61] : memref<322560xi32, #tpu.memory_space<hbm>> -> memref<120xi32, #tpu.memory_space<hbm>>
          %dma_start3A_66 = tpu.memref_slice %arg4[%add3A_61] : memref<322560xi32, #tpu.memory_space<hbm>> -> memref<120xi32, #tpu.memory_space<hbm>>
          tpu.enqueue_dma source(%dma_start3A_66 : memref<120xi32, #tpu.memory_space<hbm>>) target(%arg10 : memref<120xi32, #tpu.memory_space<vmem>>) target_semaphore(%run_scoped3A : memref<!tpu.dma_semaphore, #tpu.memory_space<semaphore_mem>>)
          %dma_wait3A_67 = tpu.memref_slice %arg4[%add3A_61] : memref<322560xi32, #tpu.memory_space<hbm>> -> memref<120xi32, #tpu.memory_space<hbm>>
          %dma_wait3A_68 = tpu.memref_slice %arg4[%add3A_61] : memref<322560xi32, #tpu.memory_space<hbm>> -> memref<120xi32, #tpu.memory_space<hbm>>
          tpu.wait_dma2 semaphore(%run_scoped3A : memref<!tpu.dma_semaphore, #tpu.memory_space<semaphore_mem>>) src(%dma_wait3A_68 : memref<120xi32, #tpu.memory_space<hbm>>) dst(%arg10 : memref<120xi32, #tpu.memory_space<vmem>>)
          tpu.yield
        }) : () -> ()
        %dma_start3A_62 = arith.constant 0 : i32
        %dma_start3A_63 = arith.constant 0 : i32
        %dma_start3A_64 = tpu.memref_slice %arg2[%dma_start3A_62, %dma_start3A_63] : memref<10000x128xf32, #tpu.memory_space<hbm>> -> memref<10000x128xf32, #tpu.memory_space<hbm>>
        tpu.enqueue_indirect_dma source(%dma_start3A_64 : memref<10000x128xf32, #tpu.memory_space<hbm>>) target(%arg13 : memref<120x128xf32, #tpu.memory_space<vmem>>) offsets(%arg7 : memref<120xi32, #tpu.memory_space<vmem>>) semaphore(%arg17 : memref<!tpu.dma_semaphore, #tpu.memory_space<semaphore_mem>>)
      } else {
      }
      %dma_wait3A_39 = arith.constant 0 : i32
      %dma_wait3A_40 = arith.constant 0 : i32
      %dma_wait3A_41 = tpu.memref_slice %arg2[%dma_wait3A_39, %dma_wait3A_40] : memref<10000x128xf32, #tpu.memory_space<hbm>> -> memref<10000x128xf32, #tpu.memory_space<hbm>>
      tpu.wait_indirect_dma semaphore(%arg18 : memref<!tpu.dma_semaphore, #tpu.memory_space<semaphore_mem>>) src(%dma_wait3A_41 : memref<10000x128xf32, #tpu.memory_space<hbm>>) dst(%arg14 : memref<120x128xf32, #tpu.memory_space<vmem>>)
      "tpu.region"() ({
        %run_scoped3A = tpu.sem_alloc : memref<!tpu.dma_semaphore, #tpu.memory_space<semaphore_mem>>
        %dma_start3A_55 = arith.constant 0 : i32
        %dma_start3A_56 = arith.constant 0 : i32
        %dma_start3A_57 = tpu.memref_slice %arg16[%dma_start3A_55, %dma_start3A_56] : memref<10112x128xf32, #tpu.memory_space<vmem_shared>> -> memref<10112x128xf32, #tpu.memory_space<vmem_shared>>
        tpu.enqueue_indirect_dma source(%arg14 : memref<120x128xf32, #tpu.memory_space<vmem>>) target(%dma_start3A_57 : memref<10112x128xf32, #tpu.memory_space<vmem_shared>>) offsets(%arg11 : memref<120xi32, #tpu.memory_space<vmem>>) semaphore(%run_scoped3A : memref<!tpu.dma_semaphore, #tpu.memory_space<semaphore_mem>>) {add = true}
        %dma_wait3A_58 = arith.constant 0 : i32
        %dma_wait3A_59 = arith.constant 0 : i32
        %dma_wait3A_60 = tpu.memref_slice %arg16[%dma_wait3A_58, %dma_wait3A_59] : memref<10112x128xf32, #tpu.memory_space<vmem_shared>> -> memref<10112x128xf32, #tpu.memory_space<vmem_shared>>
        tpu.wait_indirect_dma semaphore(%run_scoped3A : memref<!tpu.dma_semaphore, #tpu.memory_space<semaphore_mem>>) src(%arg14 : memref<120x128xf32, #tpu.memory_space<vmem>>) dst(%dma_wait3A_60 : memref<10112x128xf32, #tpu.memory_space<vmem_shared>>)
        tpu.yield
      }) : () -> ()
      %lt3A_42 = arith.constant 27 : i32
      %lt3A_43 = arith.cmpi slt, %scan3A_32, %lt3A_42 : i32
      %convert_element_type3A_44 = arith.extui %lt3A_43 : i1 to i32
      %cond3A_45 = arith.constant 0 : i32
      %cond3A_46 = arith.cmpi ne, %convert_element_type3A_44, %cond3A_45 : i32
      scf.if %cond3A_46 {
        %add3A_55 = arith.constant 3 : i32
        %add3A_56 = arith.addi %mul3A_34, %add3A_55 : i32
        %add3A_57 = arith.constant 1 : i32
        %add3A_58 = arith.addi %add3A_56, %add3A_57 : i32
        %mul3A_59 = arith.constant 120 : i32
        %mul3A_60 = arith.muli %add3A_58, %mul3A_59 : i32
        %add3A_61 = arith.addi %mul3A_4, %mul3A_60 : i32
        "tpu.region"() ({
          %run_scoped3A = tpu.sem_alloc : memref<!tpu.dma_semaphore, #tpu.memory_space<semaphore_mem>>
          %dma_start3A_65 = tpu.memref_slice %arg3[%add3A_61] : memref<322560xi32, #tpu.memory_space<hbm>> -> memref<120xi32, #tpu.memory_space<hbm>>
          %dma_start3A_66 = tpu.memref_slice %arg3[%add3A_61] : memref<322560xi32, #tpu.memory_space<hbm>> -> memref<120xi32, #tpu.memory_space<hbm>>
          tpu.enqueue_dma source(%dma_start3A_66 : memref<120xi32, #tpu.memory_space<hbm>>) target(%arg8 : memref<120xi32, #tpu.memory_space<vmem>>) target_semaphore(%run_scoped3A : memref<!tpu.dma_semaphore, #tpu.memory_space<semaphore_mem>>)
          %dma_wait3A_67 = tpu.memref_slice %arg3[%add3A_61] : memref<322560xi32, #tpu.memory_space<hbm>> -> memref<120xi32, #tpu.memory_space<hbm>>
          %dma_wait3A_68 = tpu.memref_slice %arg3[%add3A_61] : memref<322560xi32, #tpu.memory_space<hbm>> -> memref<120xi32, #tpu.memory_space<hbm>>
          tpu.wait_dma2 semaphore(%run_scoped3A : memref<!tpu.dma_semaphore, #tpu.memory_space<semaphore_mem>>) src(%dma_wait3A_68 : memref<120xi32, #tpu.memory_space<hbm>>) dst(%arg8 : memref<120xi32, #tpu.memory_space<vmem>>)
          tpu.yield
        }) : () -> ()
        "tpu.region"() ({
          %run_scoped3A = tpu.sem_alloc : memref<!tpu.dma_semaphore, #tpu.memory_space<semaphore_mem>>
          %dma_start3A_65 = tpu.memref_slice %arg4[%add3A_61] : memref<322560xi32, #tpu.memory_space<hbm>> -> memref<120xi32, #tpu.memory_space<hbm>>
          %dma_start3A_66 = tpu.memref_slice %arg4[%add3A_61] : memref<322560xi32, #tpu.memory_space<hbm>> -> memref<120xi32, #tpu.memory_space<hbm>>
          tpu.enqueue_dma source(%dma_start3A_66 : memref<120xi32, #tpu.memory_space<hbm>>) target(%arg11 : memref<120xi32, #tpu.memory_space<vmem>>) target_semaphore(%run_scoped3A : memref<!tpu.dma_semaphore, #tpu.memory_space<semaphore_mem>>)
          %dma_wait3A_67 = tpu.memref_slice %arg4[%add3A_61] : memref<322560xi32, #tpu.memory_space<hbm>> -> memref<120xi32, #tpu.memory_space<hbm>>
          %dma_wait3A_68 = tpu.memref_slice %arg4[%add3A_61] : memref<322560xi32, #tpu.memory_space<hbm>> -> memref<120xi32, #tpu.memory_space<hbm>>
          tpu.wait_dma2 semaphore(%run_scoped3A : memref<!tpu.dma_semaphore, #tpu.memory_space<semaphore_mem>>) src(%dma_wait3A_68 : memref<120xi32, #tpu.memory_space<hbm>>) dst(%arg11 : memref<120xi32, #tpu.memory_space<vmem>>)
          tpu.yield
        }) : () -> ()
        %dma_start3A_62 = arith.constant 0 : i32
        %dma_start3A_63 = arith.constant 0 : i32
        %dma_start3A_64 = tpu.memref_slice %arg2[%dma_start3A_62, %dma_start3A_63] : memref<10000x128xf32, #tpu.memory_space<hbm>> -> memref<10000x128xf32, #tpu.memory_space<hbm>>
        tpu.enqueue_indirect_dma source(%dma_start3A_64 : memref<10000x128xf32, #tpu.memory_space<hbm>>) target(%arg14 : memref<120x128xf32, #tpu.memory_space<vmem>>) offsets(%arg8 : memref<120xi32, #tpu.memory_space<vmem>>) semaphore(%arg18 : memref<!tpu.dma_semaphore, #tpu.memory_space<semaphore_mem>>)
      } else {
      }
      %dma_wait3A_47 = arith.constant 0 : i32
      %dma_wait3A_48 = arith.constant 0 : i32
      %dma_wait3A_49 = tpu.memref_slice %arg2[%dma_wait3A_47, %dma_wait3A_48] : memref<10000x128xf32, #tpu.memory_space<hbm>> -> memref<10000x128xf32, #tpu.memory_space<hbm>>
      tpu.wait_indirect_dma semaphore(%arg19 : memref<!tpu.dma_semaphore, #tpu.memory_space<semaphore_mem>>) src(%dma_wait3A_49 : memref<10000x128xf32, #tpu.memory_space<hbm>>) dst(%arg15 : memref<120x128xf32, #tpu.memory_space<vmem>>)
      "tpu.region"() ({
        %run_scoped3A = tpu.sem_alloc : memref<!tpu.dma_semaphore, #tpu.memory_space<semaphore_mem>>
        %dma_start3A_55 = arith.constant 0 : i32
        %dma_start3A_56 = arith.constant 0 : i32
        %dma_start3A_57 = tpu.memref_slice %arg16[%dma_start3A_55, %dma_start3A_56] : memref<10112x128xf32, #tpu.memory_space<vmem_shared>> -> memref<10112x128xf32, #tpu.memory_space<vmem_shared>>
        tpu.enqueue_indirect_dma source(%arg15 : memref<120x128xf32, #tpu.memory_space<vmem>>) target(%dma_start3A_57 : memref<10112x128xf32, #tpu.memory_space<vmem_shared>>) offsets(%arg12 : memref<120xi32, #tpu.memory_space<vmem>>) semaphore(%run_scoped3A : memref<!tpu.dma_semaphore, #tpu.memory_space<semaphore_mem>>) {add = true}
        %dma_wait3A_58 = arith.constant 0 : i32
        %dma_wait3A_59 = arith.constant 0 : i32
        %dma_wait3A_60 = tpu.memref_slice %arg16[%dma_wait3A_58, %dma_wait3A_59] : memref<10112x128xf32, #tpu.memory_space<vmem_shared>> -> memref<10112x128xf32, #tpu.memory_space<vmem_shared>>
        tpu.wait_indirect_dma semaphore(%run_scoped3A : memref<!tpu.dma_semaphore, #tpu.memory_space<semaphore_mem>>) src(%arg15 : memref<120x128xf32, #tpu.memory_space<vmem>>) dst(%dma_wait3A_60 : memref<10112x128xf32, #tpu.memory_space<vmem_shared>>)
        tpu.yield
      }) : () -> ()
      %lt3A_50 = arith.constant 27 : i32
      %lt3A_51 = arith.cmpi slt, %scan3A_32, %lt3A_50 : i32
      %convert_element_type3A_52 = arith.extui %lt3A_51 : i1 to i32
      %cond3A_53 = arith.constant 0 : i32
      %cond3A_54 = arith.cmpi ne, %convert_element_type3A_52, %cond3A_53 : i32
      scf.if %cond3A_54 {
        %add3A_55 = arith.constant 3 : i32
        %add3A_56 = arith.addi %mul3A_34, %add3A_55 : i32
        %add3A_57 = arith.constant 2 : i32
        %add3A_58 = arith.addi %add3A_56, %add3A_57 : i32
        %mul3A_59 = arith.constant 120 : i32
        %mul3A_60 = arith.muli %add3A_58, %mul3A_59 : i32
        %add3A_61 = arith.addi %mul3A_4, %mul3A_60 : i32
        "tpu.region"() ({
          %run_scoped3A = tpu.sem_alloc : memref<!tpu.dma_semaphore, #tpu.memory_space<semaphore_mem>>
          %dma_start3A_65 = tpu.memref_slice %arg3[%add3A_61] : memref<322560xi32, #tpu.memory_space<hbm>> -> memref<120xi32, #tpu.memory_space<hbm>>
          %dma_start3A_66 = tpu.memref_slice %arg3[%add3A_61] : memref<322560xi32, #tpu.memory_space<hbm>> -> memref<120xi32, #tpu.memory_space<hbm>>
          tpu.enqueue_dma source(%dma_start3A_66 : memref<120xi32, #tpu.memory_space<hbm>>) target(%arg9 : memref<120xi32, #tpu.memory_space<vmem>>) target_semaphore(%run_scoped3A : memref<!tpu.dma_semaphore, #tpu.memory_space<semaphore_mem>>)
          %dma_wait3A_67 = tpu.memref_slice %arg3[%add3A_61] : memref<322560xi32, #tpu.memory_space<hbm>> -> memref<120xi32, #tpu.memory_space<hbm>>
          %dma_wait3A_68 = tpu.memref_slice %arg3[%add3A_61] : memref<322560xi32, #tpu.memory_space<hbm>> -> memref<120xi32, #tpu.memory_space<hbm>>
          tpu.wait_dma2 semaphore(%run_scoped3A : memref<!tpu.dma_semaphore, #tpu.memory_space<semaphore_mem>>) src(%dma_wait3A_68 : memref<120xi32, #tpu.memory_space<hbm>>) dst(%arg9 : memref<120xi32, #tpu.memory_space<vmem>>)
          tpu.yield
        }) : () -> ()
        "tpu.region"() ({
          %run_scoped3A = tpu.sem_alloc : memref<!tpu.dma_semaphore, #tpu.memory_space<semaphore_mem>>
          %dma_start3A_65 = tpu.memref_slice %arg4[%add3A_61] : memref<322560xi32, #tpu.memory_space<hbm>> -> memref<120xi32, #tpu.memory_space<hbm>>
          %dma_start3A_66 = tpu.memref_slice %arg4[%add3A_61] : memref<322560xi32, #tpu.memory_space<hbm>> -> memref<120xi32, #tpu.memory_space<hbm>>
          tpu.enqueue_dma source(%dma_start3A_66 : memref<120xi32, #tpu.memory_space<hbm>>) target(%arg12 : memref<120xi32, #tpu.memory_space<vmem>>) target_semaphore(%run_scoped3A : memref<!tpu.dma_semaphore, #tpu.memory_space<semaphore_mem>>)
          %dma_wait3A_67 = tpu.memref_slice %arg4[%add3A_61] : memref<322560xi32, #tpu.memory_space<hbm>> -> memref<120xi32, #tpu.memory_space<hbm>>
          %dma_wait3A_68 = tpu.memref_slice %arg4[%add3A_61] : memref<322560xi32, #tpu.memory_space<hbm>> -> memref<120xi32, #tpu.memory_space<hbm>>
          tpu.wait_dma2 semaphore(%run_scoped3A : memref<!tpu.dma_semaphore, #tpu.memory_space<semaphore_mem>>) src(%dma_wait3A_68 : memref<120xi32, #tpu.memory_space<hbm>>) dst(%arg12 : memref<120xi32, #tpu.memory_space<vmem>>)
          tpu.yield
        }) : () -> ()
        %dma_start3A_62 = arith.constant 0 : i32
        %dma_start3A_63 = arith.constant 0 : i32
        %dma_start3A_64 = tpu.memref_slice %arg2[%dma_start3A_62, %dma_start3A_63] : memref<10000x128xf32, #tpu.memory_space<hbm>> -> memref<10000x128xf32, #tpu.memory_space<hbm>>
        tpu.enqueue_indirect_dma source(%dma_start3A_64 : memref<10000x128xf32, #tpu.memory_space<hbm>>) target(%arg15 : memref<120x128xf32, #tpu.memory_space<vmem>>) offsets(%arg9 : memref<120xi32, #tpu.memory_space<vmem>>) semaphore(%arg19 : memref<!tpu.dma_semaphore, #tpu.memory_space<semaphore_mem>>)
      } else {
      }
    }
    %scan3A_23 = arith.constant 28 : i32
    %barrier3A_24 = arith.constant 0 : index
    tpu.barrier barrier_id(%barrier3A_24)
    %mul3A_25 = arith.constant 632 : i32
    %mul3A_26 = arith.muli %arg1, %mul3A_25 : i32
    %mul3A_27 = arith.constant 10112 : i32
    %mul3A_28 = arith.muli %arg0, %mul3A_27 : i32
    %mul3A_29 = arith.constant 632 : i32
    %mul3A_30 = arith.muli %arg1, %mul3A_29 : i32
    %add3A_31 = arith.addi %mul3A_28, %mul3A_30 : i32
    "tpu.region"() ({
      %run_scoped3A = tpu.sem_alloc : memref<!tpu.dma_semaphore, #tpu.memory_space<semaphore_mem>>
      %dma_start3A_32 = arith.constant 0 : i32
      %dma_start3A_33 = tpu.memref_slice %arg6[%add3A_31, %dma_start3A_32] : memref<20224x128xf32, #tpu.memory_space<hbm>> -> memref<632x128xf32, #tpu.memory_space<hbm>>
      %dma_start3A_34 = arith.constant 0 : i32
      %dma_start3A_35 = tpu.memref_slice %arg16[%mul3A_26, %dma_start3A_34] : memref<10112x128xf32, #tpu.memory_space<vmem_shared>> -> memref<632x128xf32, #tpu.memory_space<vmem_shared>>
      tpu.enqueue_dma source(%dma_start3A_35 : memref<632x128xf32, #tpu.memory_space<vmem_shared>>) target(%dma_start3A_33 : memref<632x128xf32, #tpu.memory_space<hbm>>) target_semaphore(%run_scoped3A : memref<!tpu.dma_semaphore, #tpu.memory_space<semaphore_mem>>)
      %dma_wait3A = arith.constant 0 : i32
      %dma_wait3A_36 = tpu.memref_slice %arg6[%add3A_31, %dma_wait3A] : memref<20224x128xf32, #tpu.memory_space<hbm>> -> memref<632x128xf32, #tpu.memory_space<hbm>>
      %dma_wait3A_37 = arith.constant 0 : i32
      %dma_wait3A_38 = tpu.memref_slice %arg16[%mul3A_26, %dma_wait3A_37] : memref<10112x128xf32, #tpu.memory_space<vmem_shared>> -> memref<632x128xf32, #tpu.memory_space<vmem_shared>>
      tpu.wait_dma2 semaphore(%run_scoped3A : memref<!tpu.dma_semaphore, #tpu.memory_space<semaphore_mem>>) src(%dma_wait3A_38 : memref<632x128xf32, #tpu.memory_space<vmem_shared>>) dst(%dma_wait3A_36 : memref<632x128xf32, #tpu.memory_space<hbm>>)
      tpu.yield
    }) : () -> ()
    return
  }
}

module attributes {stable_mosaic.version = 14 : i64} {
  func.func @_mm_body(%arg0: i32, %arg1: memref<400x128xf32, #tpu.memory_space<vmem>>, %arg2: memref<128x128xf32, #tpu.memory_space<vmem>>, %arg3: memref<400x128xf32, #tpu.memory_space<vmem>>) attributes {dimension_semantics = [#tpu.dimension_semantics<arbitrary>], iteration_bounds = array<i64: 25>, scalar_prefetch = 0 : i64, scratch_operands = 0 : i64, tpu.core_type = #tpu.core_type<tc>, window_params = [{transform_indices = @transform_0, window_bounds = array<i64: 400, 128>}, {pipeline_mode = #tpu.pipeline_mode<synchronous>, transform_indices = @transform_1, window_bounds = array<i64: 128, 128>}, {transform_indices = @transform_2, window_bounds = array<i64: 400, 128>}]} {
    %get3A = arith.constant 0 : index
    %get3A_0 = arith.constant 0 : index
    %get3A_1 = vector.load %arg1[%get3A, %get3A_0] : memref<400x128xf32, #tpu.memory_space<vmem>>, vector<400x128xf32>
    %get3A_2 = arith.constant 0 : index
    %get3A_3 = arith.constant 0 : index
    %get3A_4 = vector.load %arg2[%get3A_2, %get3A_3] : memref<128x128xf32, #tpu.memory_space<vmem>>, vector<128x128xf32>
    %dot_general3A = arith.constant dense<0.000000e+00> : vector<400x128xf32>
    %dot_general3A_5 = tpu.matmul %get3A_1, %get3A_4, %dot_general3A {dimension_numbers = #tpu.dot_dimension_numbers<[1], [0], [0], [1], [0, 0, 1, 1], [], []>, transpose_lhs_hint = false} : vector<400x128xf32>, vector<128x128xf32>, vector<400x128xf32> -> vector<400x128xf32>
    %swap3A = arith.constant 0 : index
    %swap3A_6 = arith.constant 0 : index
    %swap3A_7 = vector.load %arg3[%swap3A, %swap3A_6] : memref<400x128xf32, #tpu.memory_space<vmem>>, vector<400x128xf32>
    tpu.vector_store %arg3[%swap3A, %swap3A_6], %dot_general3A_5 {strides = array<i32>} : memref<400x128xf32, #tpu.memory_space<vmem>>, vector<400x128xf32>,
    return
  }
  func.func @transform_0(%arg0: i32) -> (i32, i32) {
    %c0_i32 = arith.constant 0 : i32
    %c0_i32_0 = arith.constant 0 : i32
    return %arg0, %c0_i32 : i32, i32
  }
  func.func @transform_1(%arg0: i32) -> (i32, i32) {
    %c0_i32 = arith.constant 0 : i32
    %c0_i32_0 = arith.constant 0 : i32
    %c0_i32_1 = arith.constant 0 : i32
    return %c0_i32, %c0_i32_0 : i32, i32
  }
  func.func @transform_2(%arg0: i32) -> (i32, i32) {
    %c0_i32 = arith.constant 0 : i32
    %c0_i32_0 = arith.constant 0 : i32
    return %arg0, %c0_i32 : i32, i32
  }
}

module attributes {stable_mosaic.version = 14 : i64} {
  func.func @_prep_body(%arg0: i32, %arg1: memref<2x400x128xf32, #tpu.memory_space<vmem>>, %arg2: memref<400x128xf32, #tpu.memory_space<vmem>>, %arg3: memref<400x128xf32, #tpu.memory_space<vmem>>) attributes {dimension_semantics = [#tpu.dimension_semantics<arbitrary>], iteration_bounds = array<i64: 25>, scalar_prefetch = 0 : i64, scratch_operands = 0 : i64, tpu.core_type = #tpu.core_type<tc>, window_params = [{transform_indices = @transform_0, window_bounds = array<i64: 2, 400, 128>}, {transform_indices = @transform_1, window_bounds = array<i64: 400, 128>}, {transform_indices = @transform_2, window_bounds = array<i64: 400, 128>}]} {
    %get3A = arith.constant 0 : index
    %get3A_0 = arith.constant 0 : index
    %get3A_1 = arith.constant 0 : index
    %get3A_2 = vector.load %arg1[%get3A, %get3A_0, %get3A_1] : memref<2x400x128xf32, #tpu.memory_space<vmem>>, vector<1x400x128xf32>
    %get3A_3 = vector.shape_cast %get3A_2 : vector<1x400x128xf32> to vector<400x128xf32>
    %get3A_4 = arith.constant 1 : index
    %get3A_5 = arith.constant 0 : index
    %get3A_6 = arith.constant 0 : index
    %get3A_7 = vector.load %arg1[%get3A_4, %get3A_5, %get3A_6] : memref<2x400x128xf32, #tpu.memory_space<vmem>>, vector<1x400x128xf32>
    %get3A_8 = vector.shape_cast %get3A_7 : vector<1x400x128xf32> to vector<400x128xf32>
    %slice3A = vector.extract_strided_slice %get3A_3 {offsets = [0, 0], sizes = [400, 1], strides = [1, 1]} : vector<400x128xf32> to vector<400x1xf32>
    %slice3A_9 = vector.extract_strided_slice %get3A_8 {offsets = [0, 0], sizes = [400, 1], strides = [1, 1]} : vector<400x128xf32> to vector<400x1xf32>
    %add3A = arith.addf %slice3A, %slice3A_9 : vector<400x1xf32>
    %add3A_10 = arith.constant 1.000000e+00 : f32
    %add3A_11 = vector.broadcast %add3A_10 : f32 to vector<400x1xf32>
    %add3A_12 = arith.addf %add3A, %add3A_11 : vector<400x1xf32>
    %max3A = arith.constant 1.000000e+00 : f32
    %max3A_13 = vector.broadcast %max3A : f32 to vector<400x1xf32>
    %max3A_14 = arith.maximumf %add3A_12, %max3A_13 : vector<400x1xf32>
    %sqrt3A = math.sqrt %max3A_14 : vector<400x1xf32>
    %div3A = arith.constant 1.000000e+00 : f32
    %div3A_15 = vector.broadcast %div3A : f32 to vector<400x1xf32>
    %div3A_16 = arith.divf %div3A_15, %sqrt3A : vector<400x1xf32>
    %get3A_17 = arith.constant 0 : index
    %get3A_18 = arith.constant 0 : index
    %get3A_19 = vector.load %arg2[%get3A_17, %get3A_18] : memref<400x128xf32, #tpu.memory_space<vmem>>, vector<400x128xf32>
    %mul3A = vector.broadcast %div3A_16 : vector<400x1xf32> to vector<400x128xf32>
    %mul3A_20 = arith.mulf %get3A_19, %mul3A : vector<400x128xf32>
    %swap3A = arith.constant 0 : index
    %swap3A_21 = arith.constant 0 : index
    %swap3A_22 = vector.load %arg3[%swap3A, %swap3A_21] : memref<400x128xf32, #tpu.memory_space<vmem>>, vector<400x128xf32>
    tpu.vector_store %arg3[%swap3A, %swap3A_21], %mul3A_20 {strides = array<i32>} : memref<400x128xf32, #tpu.memory_space<vmem>>, vector<400x128xf32>,
    return
  }
  func.func @transform_0(%arg0: i32) -> (i32, i32, i32) {
    %c0_i32 = arith.constant 0 : i32
    %c0_i32_0 = arith.constant 0 : i32
    %c0_i32_1 = arith.constant 0 : i32
    return %c0_i32, %arg0, %c0_i32_0 : i32, i32, i32
  }
  func.func @transform_1(%arg0: i32) -> (i32, i32) {
    %c0_i32 = arith.constant 0 : i32
    %c0_i32_0 = arith.constant 0 : i32
    return %arg0, %c0_i32 : i32, i32
  }
  func.func @transform_2(%arg0: i32) -> (i32, i32) {
    %c0_i32 = arith.constant 0 : i32
    %c0_i32_0 = arith.constant 0 : i32
    return %arg0, %c0_i32 : i32, i32
  }
}

module attributes {stable_mosaic.version = 14 : i64} {
  func.func @_l1_body(%arg0: i32, %arg1: memref<2x400x128xf32, #tpu.memory_space<vmem>>, %arg2: memref<2x400x128xf32, #tpu.memory_space<vmem>>, %arg3: memref<400x128xf32, #tpu.memory_space<vmem>>, %arg4: memref<1x128xf32, #tpu.memory_space<vmem>>, %arg5: memref<400x128xf32, #tpu.memory_space<vmem>>) attributes {dimension_semantics = [#tpu.dimension_semantics<arbitrary>], iteration_bounds = array<i64: 25>, scalar_prefetch = 0 : i64, scratch_operands = 0 : i64, tpu.core_type = #tpu.core_type<tc>, window_params = [{transform_indices = @transform_0, window_bounds = array<i64: 2, 400, 128>}, {transform_indices = @transform_1, window_bounds = array<i64: 2, 400, 128>}, {transform_indices = @transform_2, window_bounds = array<i64: 400, 128>}, {pipeline_mode = #tpu.pipeline_mode<synchronous>, transform_indices = @transform_3, window_bounds = array<i64: 1, 128>}, {transform_indices = @transform_4, window_bounds = array<i64: 400, 128>}]} {
    %get3A = arith.constant 0 : index
    %get3A_0 = arith.constant 0 : index
    %get3A_1 = arith.constant 0 : index
    %get3A_2 = vector.load %arg1[%get3A, %get3A_0, %get3A_1] : memref<2x400x128xf32, #tpu.memory_space<vmem>>, vector<1x400x128xf32>
    %get3A_3 = vector.shape_cast %get3A_2 : vector<1x400x128xf32> to vector<400x128xf32>
    %get3A_4 = arith.constant 1 : index
    %get3A_5 = arith.constant 0 : index
    %get3A_6 = arith.constant 0 : index
    %get3A_7 = vector.load %arg1[%get3A_4, %get3A_5, %get3A_6] : memref<2x400x128xf32, #tpu.memory_space<vmem>>, vector<1x400x128xf32>
    %get3A_8 = vector.shape_cast %get3A_7 : vector<1x400x128xf32> to vector<400x128xf32>
    %slice3A = vector.extract_strided_slice %get3A_3 {offsets = [0, 0], sizes = [400, 1], strides = [1, 1]} : vector<400x128xf32> to vector<400x1xf32>
    %slice3A_9 = vector.extract_strided_slice %get3A_8 {offsets = [0, 0], sizes = [400, 1], strides = [1, 1]} : vector<400x128xf32> to vector<400x1xf32>
    %add3A = arith.addf %slice3A, %slice3A_9 : vector<400x1xf32>
    %add3A_10 = arith.constant 1.000000e+00 : f32
    %add3A_11 = vector.broadcast %add3A_10 : f32 to vector<400x1xf32>
    %add3A_12 = arith.addf %add3A, %add3A_11 : vector<400x1xf32>
    %max3A = arith.constant 1.000000e+00 : f32
    %max3A_13 = vector.broadcast %max3A : f32 to vector<400x1xf32>
    %max3A_14 = arith.maximumf %add3A_12, %max3A_13 : vector<400x1xf32>
    %sqrt3A = math.sqrt %max3A_14 : vector<400x1xf32>
    %div3A = arith.constant 1.000000e+00 : f32
    %div3A_15 = vector.broadcast %div3A : f32 to vector<400x1xf32>
    %div3A_16 = arith.divf %div3A_15, %sqrt3A : vector<400x1xf32>
    %get3A_17 = arith.constant 0 : index
    %get3A_18 = arith.constant 0 : index
    %get3A_19 = arith.constant 0 : index
    %get3A_20 = vector.load %arg2[%get3A_17, %get3A_18, %get3A_19] : memref<2x400x128xf32, #tpu.memory_space<vmem>>, vector<1x400x128xf32>
    %get3A_21 = vector.shape_cast %get3A_20 : vector<1x400x128xf32> to vector<400x128xf32>
    %get3A_22 = arith.constant 1 : index
    %get3A_23 = arith.constant 0 : index
    %get3A_24 = arith.constant 0 : index
    %get3A_25 = vector.load %arg2[%get3A_22, %get3A_23, %get3A_24] : memref<2x400x128xf32, #tpu.memory_space<vmem>>, vector<1x400x128xf32>
    %get3A_26 = vector.shape_cast %get3A_25 : vector<1x400x128xf32> to vector<400x128xf32>
    %add3A_27 = arith.addf %get3A_21, %get3A_26 : vector<400x128xf32>
    %get3A_28 = arith.constant 0 : index
    %get3A_29 = arith.constant 0 : index
    %get3A_30 = vector.load %arg3[%get3A_28, %get3A_29] : memref<400x128xf32, #tpu.memory_space<vmem>>, vector<400x128xf32>
    %add3A_31 = arith.addf %add3A_27, %get3A_30 : vector<400x128xf32>
    %mul3A = vector.broadcast %div3A_16 : vector<400x1xf32> to vector<400x128xf32>
    %mul3A_32 = arith.mulf %add3A_31, %mul3A : vector<400x128xf32>
    %get3A_33 = arith.constant 0 : index
    %get3A_34 = arith.constant 0 : index
    %get3A_35 = vector.load %arg4[%get3A_33, %get3A_34] : memref<1x128xf32, #tpu.memory_space<vmem>>, vector<1x128xf32>
    %add3A_36 = vector.broadcast %get3A_35 : vector<1x128xf32> to vector<400x128xf32>
    %add3A_37 = arith.addf %mul3A_32, %add3A_36 : vector<400x128xf32>
    %max3A_38 = arith.constant 0.000000e+00 : f32
    %max3A_39 = vector.broadcast %max3A_38 : f32 to vector<400x128xf32>
    %max3A_40 = arith.maximumf %add3A_37, %max3A_39 : vector<400x128xf32>
    %mul3A_41 = vector.broadcast %div3A_16 : vector<400x1xf32> to vector<400x128xf32>
    %mul3A_42 = arith.mulf %max3A_40, %mul3A_41 : vector<400x128xf32>
    %swap3A = arith.constant 0 : index
    %swap3A_43 = arith.constant 0 : index
    %swap3A_44 = vector.load %arg5[%swap3A, %swap3A_43] : memref<400x128xf32, #tpu.memory_space<vmem>>, vector<400x128xf32>
    tpu.vector_store %arg5[%swap3A, %swap3A_43], %mul3A_42 {strides = array<i32>} : memref<400x128xf32, #tpu.memory_space<vmem>>, vector<400x128xf32>,
    return
  }
  func.func @transform_0(%arg0: i32) -> (i32, i32, i32) {
    %c0_i32 = arith.constant 0 : i32
    %c0_i32_0 = arith.constant 0 : i32
    %c0_i32_1 = arith.constant 0 : i32
    return %c0_i32, %arg0, %c0_i32_0 : i32, i32, i32
  }
  func.func @transform_1(%arg0: i32) -> (i32, i32, i32) {
    %c0_i32 = arith.constant 0 : i32
    %c0_i32_0 = arith.constant 0 : i32
    %c0_i32_1 = arith.constant 0 : i32
    return %c0_i32, %arg0, %c0_i32_0 : i32, i32, i32
  }
  func.func @transform_2(%arg0: i32) -> (i32, i32) {
    %c0_i32 = arith.constant 0 : i32
    %c0_i32_0 = arith.constant 0 : i32
    return %arg0, %c0_i32 : i32, i32
  }
  func.func @transform_3(%arg0: i32) -> (i32, i32) {
    %c0_i32 = arith.constant 0 : i32
    %c0_i32_0 = arith.constant 0 : i32
    %c0_i32_1 = arith.constant 0 : i32
    return %c0_i32, %c0_i32_0 : i32, i32
  }
  func.func @transform_4(%arg0: i32) -> (i32, i32) {
    %c0_i32 = arith.constant 0 : i32
    %c0_i32_0 = arith.constant 0 : i32
    return %arg0, %c0_i32 : i32, i32
  }
}

module attributes {stable_mosaic.version = 14 : i64} {
  func.func @_l2_body(%arg0: i32, %arg1: memref<2x400x128xf32, #tpu.memory_space<vmem>>, %arg2: memref<2x400x128xf32, #tpu.memory_space<vmem>>, %arg3: memref<400x128xf32, #tpu.memory_space<vmem>>, %arg4: memref<128x64xf32, #tpu.memory_space<vmem>>, %arg5: memref<1x64xf32, #tpu.memory_space<vmem>>, %arg6: memref<128x64xf32, #tpu.memory_space<vmem>>, %arg7: memref<1x64xf32, #tpu.memory_space<vmem>>, %arg8: memref<400x64xf32, #tpu.memory_space<vmem>>, %arg9: memref<400x64xf32, #tpu.memory_space<vmem>>) attributes {dimension_semantics = [#tpu.dimension_semantics<arbitrary>], iteration_bounds = array<i64: 25>, scalar_prefetch = 0 : i64, scratch_operands = 0 : i64, tpu.core_type = #tpu.core_type<tc>, window_params = [{transform_indices = @transform_0, window_bounds = array<i64: 2, 400, 128>}, {transform_indices = @transform_1, window_bounds = array<i64: 2, 400, 128>}, {transform_indices = @transform_2, window_bounds = array<i64: 400, 128>}, {pipeline_mode = #tpu.pipeline_mode<synchronous>, transform_indices = @transform_3, window_bounds = array<i64: 128, 64>}, {pipeline_mode = #tpu.pipeline_mode<synchronous>, transform_indices = @transform_4, window_bounds = array<i64: 1, 64>}, {pipeline_mode = #tpu.pipeline_mode<synchronous>, transform_indices = @transform_5, window_bounds = array<i64: 128, 64>}, {pipeline_mode = #tpu.pipeline_mode<synchronous>, transform_indices = @transform_6, window_bounds = array<i64: 1, 64>}, {transform_indices = @transform_7, window_bounds = array<i64: 400, 64>}, {transform_indices = @transform_8, window_bounds = array<i64: 400, 64>}]} {
    %get3A = arith.constant 0 : index
    %get3A_0 = arith.constant 0 : index
    %get3A_1 = arith.constant 0 : index
    %get3A_2 = vector.load %arg1[%get3A, %get3A_0, %get3A_1] : memref<2x400x128xf32, #tpu.memory_space<vmem>>, vector<1x400x128xf32>
    %get3A_3 = vector.shape_cast %get3A_2 : vector<1x400x128xf32> to vector<400x128xf32>
    %get3A_4 = arith.constant 1 : index
    %get3A_5 = arith.constant 0 : index
    %get3A_6 = arith.constant 0 : index
    %get3A_7 = vector.load %arg1[%get3A_4, %get3A_5, %get3A_6] : memref<2x400x128xf32, #tpu.memory_space<vmem>>, vector<1x400x128xf32>
    %get3A_8 = vector.shape_cast %get3A_7 : vector<1x400x128xf32> to vector<400x128xf32>
    %slice3A = vector.extract_strided_slice %get3A_3 {offsets = [0, 0], sizes = [400, 1], strides = [1, 1]} : vector<400x128xf32> to vector<400x1xf32>
    %slice3A_9 = vector.extract_strided_slice %get3A_8 {offsets = [0, 0], sizes = [400, 1], strides = [1, 1]} : vector<400x128xf32> to vector<400x1xf32>
    %add3A = arith.addf %slice3A, %slice3A_9 : vector<400x1xf32>
    %add3A_10 = arith.constant 1.000000e+00 : f32
    %add3A_11 = vector.broadcast %add3A_10 : f32 to vector<400x1xf32>
    %add3A_12 = arith.addf %add3A, %add3A_11 : vector<400x1xf32>
    %max3A = arith.constant 1.000000e+00 : f32
    %max3A_13 = vector.broadcast %max3A : f32 to vector<400x1xf32>
    %max3A_14 = arith.maximumf %add3A_12, %max3A_13 : vector<400x1xf32>
    %sqrt3A = math.sqrt %max3A_14 : vector<400x1xf32>
    %div3A = arith.constant 1.000000e+00 : f32
    %div3A_15 = vector.broadcast %div3A : f32 to vector<400x1xf32>
    %div3A_16 = arith.divf %div3A_15, %sqrt3A : vector<400x1xf32>
    %get3A_17 = arith.constant 0 : index
    %get3A_18 = arith.constant 0 : index
    %get3A_19 = arith.constant 0 : index
    %get3A_20 = vector.load %arg2[%get3A_17, %get3A_18, %get3A_19] : memref<2x400x128xf32, #tpu.memory_space<vmem>>, vector<1x400x128xf32>
    %get3A_21 = vector.shape_cast %get3A_20 : vector<1x400x128xf32> to vector<400x128xf32>
    %get3A_22 = arith.constant 1 : index
    %get3A_23 = arith.constant 0 : index
    %get3A_24 = arith.constant 0 : index
    %get3A_25 = vector.load %arg2[%get3A_22, %get3A_23, %get3A_24] : memref<2x400x128xf32, #tpu.memory_space<vmem>>, vector<1x400x128xf32>
    %get3A_26 = vector.shape_cast %get3A_25 : vector<1x400x128xf32> to vector<400x128xf32>
    %add3A_27 = arith.addf %get3A_21, %get3A_26 : vector<400x128xf32>
    %get3A_28 = arith.constant 0 : index
    %get3A_29 = arith.constant 0 : index
    %get3A_30 = vector.load %arg3[%get3A_28, %get3A_29] : memref<400x128xf32, #tpu.memory_space<vmem>>, vector<400x128xf32>
    %add3A_31 = arith.addf %add3A_27, %get3A_30 : vector<400x128xf32>
    %mul3A = vector.broadcast %div3A_16 : vector<400x1xf32> to vector<400x128xf32>
    %mul3A_32 = arith.mulf %add3A_31, %mul3A : vector<400x128xf32>
    %get3A_33 = arith.constant 0 : index
    %get3A_34 = arith.constant 0 : index
    %get3A_35 = vector.load %arg4[%get3A_33, %get3A_34] : memref<128x64xf32, #tpu.memory_space<vmem>>, vector<128x64xf32>
    %dot_general3A = arith.constant dense<0.000000e+00> : vector<400x64xf32>
    %dot_general3A_36 = tpu.matmul %mul3A_32, %get3A_35, %dot_general3A {dimension_numbers = #tpu.dot_dimension_numbers<[1], [0], [0], [1], [0, 0, 1, 1], [], []>, transpose_lhs_hint = false} : vector<400x128xf32>, vector<128x64xf32>, vector<400x64xf32> -> vector<400x64xf32>
    %get3A_37 = arith.constant 0 : index
    %get3A_38 = arith.constant 0 : index
    %get3A_39 = vector.load %arg5[%get3A_37, %get3A_38] : memref<1x64xf32, #tpu.memory_space<vmem>>, vector<1x64xf32>
    %add3A_40 = vector.broadcast %get3A_39 : vector<1x64xf32> to vector<400x64xf32>
    %add3A_41 = arith.addf %dot_general3A_36, %add3A_40 : vector<400x64xf32>
    %swap3A = arith.constant 0 : index
    %swap3A_42 = arith.constant 0 : index
    %swap3A_43 = vector.load %arg8[%swap3A, %swap3A_42] : memref<400x64xf32, #tpu.memory_space<vmem>>, vector<400x64xf32>
    tpu.vector_store %arg8[%swap3A, %swap3A_42], %add3A_41 {strides = array<i32>} : memref<400x64xf32, #tpu.memory_space<vmem>>, vector<400x64xf32>,
    %get3A_44 = arith.constant 0 : index
    %get3A_45 = arith.constant 0 : index
    %get3A_46 = vector.load %arg6[%get3A_44, %get3A_45] : memref<128x64xf32, #tpu.memory_space<vmem>>, vector<128x64xf32>
    %dot_general3A_47 = arith.constant dense<0.000000e+00> : vector<400x64xf32>
    %dot_general3A_48 = tpu.matmul %mul3A_32, %get3A_46, %dot_general3A_47 {dimension_numbers = #tpu.dot_dimension_numbers<[1], [0], [0], [1], [0, 0, 1, 1], [], []>, transpose_lhs_hint = false} : vector<400x128xf32>, vector<128x64xf32>, vector<400x64xf32> -> vector<400x64xf32>
    %get3A_49 = arith.constant 0 : index
    %get3A_50 = arith.constant 0 : index
    %get3A_51 = vector.load %arg7[%get3A_49, %get3A_50] : memref<1x64xf32, #tpu.memory_space<vmem>>, vector<1x64xf32>
    %add3A_52 = vector.broadcast %get3A_51 : vector<1x64xf32> to vector<400x64xf32>
    %add3A_53 = arith.addf %dot_general3A_48, %add3A_52 : vector<400x64xf32>
    %swap3A_54 = arith.constant 0 : index
    %swap3A_55 = arith.constant 0 : index
    %swap3A_56 = vector.load %arg9[%swap3A_54, %swap3A_55] : memref<400x64xf32, #tpu.memory_space<vmem>>, vector<400x64xf32>
    tpu.vector_store %arg9[%swap3A_54, %swap3A_55], %add3A_53 {strides = array<i32>} : memref<400x64xf32, #tpu.memory_space<vmem>>, vector<400x64xf32>,
    return
  }
  func.func @transform_0(%arg0: i32) -> (i32, i32, i32) {
    %c0_i32 = arith.constant 0 : i32
    %c0_i32_0 = arith.constant 0 : i32
    %c0_i32_1 = arith.constant 0 : i32
    return %c0_i32, %arg0, %c0_i32_0 : i32, i32, i32
  }
  func.func @transform_1(%arg0: i32) -> (i32, i32, i32) {
    %c0_i32 = arith.constant 0 : i32
    %c0_i32_0 = arith.constant 0 : i32
    %c0_i32_1 = arith.constant 0 : i32
    return %c0_i32, %arg0, %c0_i32_0 : i32, i32, i32
  }
  func.func @transform_2(%arg0: i32) -> (i32, i32) {
    %c0_i32 = arith.constant 0 : i32
    %c0_i32_0 = arith.constant 0 : i32
    return %arg0, %c0_i32 : i32, i32
  }
  func.func @transform_3(%arg0: i32) -> (i32, i32) {
    %c0_i32 = arith.constant 0 : i32
    %c0_i32_0 = arith.constant 0 : i32
    %c0_i32_1 = arith.constant 0 : i32
    return %c0_i32, %c0_i32_0 : i32, i32
  }
  func.func @transform_4(%arg0: i32) -> (i32, i32) {
    %c0_i32 = arith.constant 0 : i32
    %c0_i32_0 = arith.constant 0 : i32
    %c0_i32_1 = arith.constant 0 : i32
    return %c0_i32, %c0_i32_0 : i32, i32
  }
  func.func @transform_5(%arg0: i32) -> (i32, i32) {
    %c0_i32 = arith.constant 0 : i32
    %c0_i32_0 = arith.constant 0 : i32
    %c0_i32_1 = arith.constant 0 : i32
    return %c0_i32, %c0_i32_0 : i32, i32
  }
  func.func @transform_6(%arg0: i32) -> (i32, i32) {
    %c0_i32 = arith.constant 0 : i32
    %c0_i32_0 = arith.constant 0 : i32
    %c0_i32_1 = arith.constant 0 : i32
    return %c0_i32, %c0_i32_0 : i32, i32
  }
  func.func @transform_7(%arg0: i32) -> (i32, i32) {
    %c0_i32 = arith.constant 0 : i32
    %c0_i32_0 = arith.constant 0 : i32
    return %arg0, %c0_i32 : i32, i32
  }
  func.func @transform_8(%arg0: i32) -> (i32, i32) {
    %c0_i32 = arith.constant 0 : i32
    %c0_i32_0 = arith.constant 0 : i32
    return %arg0, %c0_i32 : i32, i32
  }
}

</mosaic_0001>

<sc_bundles>
// kernel: kernel.12.cloned.1.call-start
scs
__scs_entry_jumppad:
0x0: {  	(pc) =	sbr.rel $0x88, $3  }
0x1: {  	(tag) =	ssettag $0x0;
	lr =	simm.s32 $0x1  }
0x2: {  	[smem:$0x3F99] =	sst lr;
	_ =	strace $0xD0000000  }
0x3: {  	_ = 	snop  }
0x4: {  	_ = 	snop  }
0x5: {  	_ = 	snop  }
0x6: {  	_ = 	snop  }
0x7: {  	_ = 	snop  }
__scs_overlays_trampoline_lowered:
0x8: {  	[smem:$0x3FA8] =	sst s0  }
0x9: {  	[smem:$0x3FA9] =	sst s1  }
0xa: {  	[smem:$0x3FAA] =	sst s2  }
0xb: {  	[smem:$0x3FAB] =	sst s3  }
0xc: {  	[smem:$0x3FAC] =	sst s4  }
0xd: {  	[smem:$0x3FAD] =	sst s5  }
0xe: {  	[smem:$0x3FAE] =	sst s6  }
0xf: {  	[smem:$0x3FAF] =	sst s7  }
0x10: {  	[smem:$0x3FB0] =	sst s8  }
0x11: {  	[smem:$0x3FB1] =	sst s9;
	s0 =	simm.s32 @!p0 $0x0  }
0x12: {  	s1 =	sld [smem:$0x3F97];
	s0 =	simm.s32 @p0 $0x1  }
0x13: {  	[smem:$0x3FB2] =	sst s0;
	s0 =	simm.s32 @!p1 $0x0  }
0x14: {  	s2 =	sld [smem:$0x3F96];
	s0 =	simm.s32 @p1 $0x1  }
0x15: {  	[smem:$0x3FB3] =	sst s0;
	s0 =	simm.s32 @!p2 $0x0  }
0x16: {  	s3 =	sld [smem:$0x3FDB];
	s0 =	simm.s32 @p2 $0x1  }
0x17: {  	s4 =	simm.s32 $0x1BF5;
	[smem:$0x3FB5] =	sst s0  }
0x18: {  	s0 =	sld [smem:$0x3F98];
	_ =	swait.ge [sflag:s4], $0x0  }
0x19: {  	s7 =	sld [smem:$0x3F99]  }
0x1a: {  	s8 =	sadd.s32 $0xFFFFE003, lr  }
0x1b: {  	s9 =	sadd.s32 $0xFFFFFEF7, lr;
	s5 =	simm.s32 $0xFFFFFFFF;
	p2 =	slt.u32 s8, $0xFFFFF086  }
0x1c: {  	p1 =	slt.u32 s9, $0xF7A;
	s5 =	simm.s32 @!p2 $0x0  }
0x1d: {  	s5 =	simm.s32 @p1 $0x1;
	p0 =	seq.s32 s7, s2  }
0x1e: {  	s7 =	smul.u32 @!p0 $0xF7A, s2;
	p2 =	seq.s32 @!p0 s5, $0x0  }
0x1f: {  	s9 =	smul.u32 $0xF7A, s1;
	s8 =	simm.s32 @!p0 $0x1BF5;
	p2 =	por !p2, p0  }
0x20: {  	[sflag:s8] =	ssyncset.s32 @!p0 $0xFFFFF086;
	s6 =	sadd.s32 @!p0 s3, s7;
	s7 =	simm.s32 @!p0 $0x108  }
0x21: {  	s3 =	sadd.s32 s3, s9;
	s6 =	sadd.s32 @!p0 $0x88, s6;
	s7 =	simm.s32 @p2 $0x1082  }
0x22: {  	[simem:s7], [sflag:s8] =	dma.local @!p0 [hbm:s6], $0xF7A  }
0x23: {  	s9 =	sor.u32 $0xD0000000, s2;
	s6 =	simm.s32 $0x108;
	_ =	swait.ge @!p0 [sflag:s8], $0x0  }
0x24: {  	s3 =	sadd.s32 $0x88, s3;
	s6 =	simm.s32 @!p1 $0x1082;
	[sflag:s4] =	ssyncset.s32 $0xFFFFF086  }
0x25: {  	[simem:s6], [sflag:s4] =	dma.local [hbm:s3], $0xF7A  }
0x26: {  	[smem:$0x3F99] =	sst s1;
	(tag) =	ssettag s2;
	_ =	strace s9  }
0x27: {  	s1 =	sld [smem:$0x3FA9]  }
0x28: {  	s2 =	sld [smem:$0x3FAA]  }
0x29: {  	s4 =	sld [smem:$0x3FAC]  }
0x2a: {  	p0 =	seq.s32 s5, $0x0;
	s5 =	sld [smem:$0x3FAD]  }
0x2b: {  	s6 =	sld [smem:$0x3FAE]  }
0x2c: {  	s7 =	sld [smem:$0x3FAF]  }
0x2d: {  	s3 =	simm.s32 $0x108;
	s8 =	sld [smem:$0x3FB0]  }
0x2e: {  	s3 =	simm.s32 @!p0 $0x1082;
	s9 =	sld [smem:$0x3FB1]  }
0x2f: {  	lr =	sadd.s32 s0, s3;
	s0 =	sld [smem:$0x3FA8]  }
0x30: {  	s3 =	sld [smem:$0x3FAB]  }
0x31: {  	[smem:$0x3FB4] =	sst s10  }
0x32: {  	s10 =	sld [smem:$0x3FB2];
	_ =	sdelay $0x3  }
0x33: {  	p0 =	seq.s32 s10, $0x1;
	s10 =	sld [smem:$0x3FB4];
	_ =	sdelay $0x3  }
0x34: {  	[smem:$0x3FB4] =	sst s10  }
0x35: {  	s10 =	sld [smem:$0x3FB3];
	_ =	sdelay $0x3  }
0x36: {  	p1 =	seq.s32 s10, $0x1;
	s10 =	sld [smem:$0x3FB4];
	_ =	sdelay $0x3  }
0x37: {  	[smem:$0x3FB4] =	sst s10  }
0x38: {  	s10 =	sld [smem:$0x3FB5]  }
0x39: {  	_ = 	snop;
	(pc) =	sbr.ind lr, $3  }
0x3a: {  	_ = 	snop  }
0x3b: {  	_ = 	snop  }
0x3c: {  	p2 =	seq.s32 s10, $0x1;
	s10 =	sld [smem:$0x3FB4]  }
0x3d: {  	_ =	shalt  }
0x3e: {  	_ =	shalt  }
0x3f: {  	_ =	shalt  }
0x40: {  	_ =	shalt  }
0x41: {  	_ =	shalt  }
0x42: {  	_ =	shalt  }
0x43: {  	_ =	shalt  }
0x44: {  	_ =	shalt  }
0x45: {  	_ =	shalt  }
0x46: {  	_ =	shalt  }
0x47: {  	_ =	shalt  }
0x48: {  	_ =	shalt  }
0x49: {  	_ =	shalt  }
0x4a: {  	_ =	shalt  }
0x4b: {  	_ =	shalt  }
0x4c: {  	_ =	shalt  }
0x4d: {  	_ =	shalt  }
0x4e: {  	_ =	shalt  }
0x4f: {  	_ =	shalt  }
0x50: {  	_ =	shalt  }
0x51: {  	_ =	shalt  }
0x52: {  	_ =	shalt  }
0x53: {  	_ =	shalt  }
0x54: {  	_ =	shalt  }
0x55: {  	_ =	shalt  }
0x56: {  	_ =	shalt  }
0x57: {  	_ =	shalt  }
0x58: {  	_ =	shalt  }
0x59: {  	_ =	shalt  }
0x5a: {  	_ =	shalt  }
0x5b: {  	_ =	shalt  }
0x5c: {  	_ =	shalt  }
0x5d: {  	_ =	shalt  }
0x5e: {  	_ =	shalt  }
0x5f: {  	_ =	shalt  }
0x60: {  	_ =	shalt  }
0x61: {  	_ =	shalt  }
0x62: {  	_ =	shalt  }
0x63: {  	_ =	shalt  }
0x64: {  	_ =	shalt  }
0x65: {  	_ =	shalt  }
0x66: {  	_ =	shalt  }
0x67: {  	_ =	shalt  }
0x68: {  	_ =	shalt  }
0x69: {  	_ =	shalt  }
0x6a: {  	_ =	shalt  }
0x6b: {  	_ =	shalt  }
0x6c: {  	_ =	shalt  }
0x6d: {  	_ =	shalt  }
0x6e: {  	_ =	shalt  }
0x6f: {  	_ =	shalt  }
0x70: {  	_ =	shalt  }
0x71: {  	_ =	shalt  }
0x72: {  	_ =	shalt  }
0x73: {  	_ =	shalt  }
0x74: {  	_ =	shalt  }
0x75: {  	_ =	shalt  }
0x76: {  	_ =	shalt  }
0x77: {  	_ =	shalt  }
0x78: {  	_ =	shalt  }
0x79: {  	_ =	shalt  }
0x7a: {  	_ =	shalt  }
0x7b: {  	_ =	shalt  }
0x7c: {  	_ =	shalt  }
0x7d: {  	_ =	shalt  }
0x7e: {  	_ =	shalt  }
0x7f: {  	_ =	shalt  }
0x80: {  	_ =	shalt  }
0x81: {  	_ =	shalt  }
0x82: {  	_ =	shalt  }
0x83: {  	_ =	shalt  }
0x84: {  	_ =	shalt  }
0x85: {  	_ =	shalt  }
0x86: {  	_ =	shalt  }
0x87: {  	_ =	shalt  }
.Lfunc_end0:
.L_simem_size_0:
called_computation.1_lowered:
.L_overlay_start_0:
0x88: {  	s2 =	sld [smem:$0x3FD9]  }
0x89: {  	s3 =	sld [smem:$0x3FFE];
	_ =	sdelay $0x1  }
0x8a: {  	s1 =	srdreg.scid  }
0x8b: {  	s0 =	sand.u32 $0x1, s1  }
0x8c: {  	s14 =	sshll.u32 s0, $0xA;
	s2 =	sadd.s32 s3, s2  }
0x8d: {  	s2 =	sadd.s32 s2, s14  }
0x8e: {  	[smem:$0x3FC0] =	sst s2  }
0x8f: {  	_ = 	snop  }
0x90: {  	s2 =	sld [smem:$0x3FD0];
	_ =	sdelay $0x2  }
0x91: {  	s15 =	simm.s32 $0xA;
	s4 =	simm.s32 $0x10  }
0x92: {  	[smem:s4], [sflag:s15] =	dma.local [hbm:s2], $0x1  }
0x93: {  	_ =	swait.eq [sflag:s15], $0x1  }
0x94: {  	[sflag:s15] =	ssyncset.done $0x0  }
0x95: {  	s16 =	sld [smem:$0x10];
	[sflag:s15] =	ssyncadd.s32 $0xFFFFFFFF  }
0x96: {  	s17 =	sld [smem:$0x11];
	(tm) =	ssettm $0x1  }
0x97: {  	s18 =	sld [smem:$0x3FFB];
	_ =	sdelay $0x3  }
0x98: {  	_ =	strace s18  }
0x99: {  	s4 =	sld [smem:$0x3FFC];
	_ =	sdelay $0x3  }
0x9a: {  	_ =	strace s4  }
0x9b: {  	s4 =	sld [smem:$0x3FFD];
	_ =	sdelay $0x3  }
0x9c: {  	_ =	strace s4  }
0x9d: {  	_ =	strace $0x8FFFFFFF  }
0x9e: {  	s19 =	sld [smem:$0x3FDB];
	_ =	sdelay $0x1  }
0x9f: {  	s5 =	simm.s32 $_scs_section_size  }
0xa0: {  	s6 =	simm.s32 $_size__tile_overlayer_lowered;
	s7 =	simm.s32 $_tile_overlayer_lowered  }
0xa1: {  	s22 =	simm.s32 $0x1BFF;
	s21 =	sshll.u32 s7, $0x1;
	s4 =	sadd.s32 s5, s19  }
0xa2: {  	s8 =	simm.s32 $0x0;
	s20 =	sshll.u32 s6, $0x1;
	s6 =	sadd.s32 s21, s4  }
0xa3: {  	[timem:s8], [sflag:s22] =	dma.local [hbm:s6], s20  }
0xa4: {  	_ =	swait.ge [sflag:s22], s20  }
0xa5: {  	s5 =	ssub.s32 $0x0, s20;
	[sflag:s22] =	ssyncset.done $0x0  }
0xa6: {  	[sflag:s22] =	ssyncadd.s32 s5;
	_ =	sdelay $0x1  }
0xa7: {  	s23 =	simm.s32 $0x1B8B  }
0xa8: {  	_ =	swait.ge [sflag:s23], $0x1  }
0xa9: {  	[sflag:s23] =	ssyncset.done $0x0  }
0xaa: {  	s25 =	simm.s32 $0x1B8E;
	s24 =	sld [smem:$0x3FFE];
	[sflag:s23] =	ssyncadd.s32 $0xFFFFFFFF  }
0xab: {  	s26 =	simm.s32 $execute0_lowered;
	[smem:$0x3FD2] =	sst s25  }
0xac: {  	s6 =	sshll.u32 s26, $0x1;
	_ =	strace $0x80000049;
	[dreg:$0x1] =	wrdreg $0xFFFFFFFF  }
0xad: {  	s28 =	simm.s32 $_size_execute0_lowered;
	s4 =	sadd.s32 s4, s6;
	[dreg:$0x0] =	wrdreg $0x0  }
0xae: {  	s6 =	sshll.u32 s28, $0x1;
	[dreg:$0x2] =	wrdreg s4  }
0xaf: {  	[dreg:$0x3] =	wrdreg s6  }
0xb0: {  	[dreg:$0x4] =	wrdreg $0xC0  }
0xb1: {  	_ =	task [dreg:s8], $0x5FFFF  }
0xb2: {  	[dreg:$0x1] =	wrdreg $0xFFFFFFFF  }
0xb3: {  	[dreg:$0x0] =	wrdreg $0x60  }
0xb4: {  	[dreg:$0x2] =	wrdreg s24  }
0xb5: {  	[dreg:$0x3] =	wrdreg s16  }
0xb6: {  	[dreg:$0x4] =	wrdreg s17  }
0xb7: {  	[dreg:$0x5] =	wrdreg $0xB7000  }
0xb8: {  	[dreg:$0x6] =	wrdreg $0x9  }
0xb9: {  	_ =	task.clear_ibuf [dreg:s8], $0x7FFFF;
	_ =	strace $0x90000049  }
0xba: {  	s29 =	simm.s32 $0x9;
	_ =	strace $0x8000004B  }
0xbb: {  	_ =	swait.ge [sflag:s29], $0x1  }
0xbc: {  	[sflag:s29] =	ssyncadd.s32 $0xFFFFFFFF  }
0xbd: {  	_ =	strace $0x9000004B  }
0xbe: {  	_ =	sfence  }
0xbf: {  	s30 =	sld [smem:$0x0];
	_ =	sdelay $0x2  }
0xc0: {  	s31 =	sshll.u32 s1, $0xD;
	s1 =	sshrl.u32 s1, $0x2  }
0xc1: {  	s3 =	sand.u32 $0x4000, s31;
	s1 =	sadd.s32 s1, s30  }
0xc2: {  	s0 =	sor.u32 s3, s0;
	s1 =	sshll.u32 s1, $0x11  }
0xc3: {  	s0 =	sor.u32 s1, s0  }
0xc4: {  	s0 =	sadd.s32 $0x8F2B, s0  }
0xc5: {  	[sflag:s0] =	ssyncadd.remote.s32 $0x1  }
0xc6: {  	_ =	sfence.sel $0xFFFF  }
0xc7: {  	[dreg:$0x0] =	wrdreg $0xFFFFFFFF;
	(pc) =	sbr.abs _section_cstart, $3  }
0xc8: {  	[dreg:$0x1] =	wrdreg $0xFFFFFFFF  }
0xc9: {  	_ =	task.clear_ibuf [dreg:s8], $0x2FFFF;
	_ =	strace $0x9FFFFFFF  }
0xca: {  	(tm) =	ssettm $0x7FFFFFFF  }
0xcb: {  	_ =	shalt  }
tec
execute0_lowered:
.L_overlay_start_1:
0x0: {  	(tag) =	ssettag $0x1  }
0x1: {  	s0 =	rddreg [dreg:$0x0]  }
0x2: {  	s1 =	rddreg [dreg:$0x1]  }
0x3: {  	s3 =	rddreg [dreg:$0x2]  }
0x4: {  	s4 =	rddreg [dreg:$0x3];
	s2 =	srdreg.scid  }
0x5: {  	s11 =	stileid.u32;
	s5 =	simm.s32 $0x0;
	s28 =	simm.s32 $0x80  }
0x6: {  	s31 =	simm.s32 $0x100;
	s29 =	simm.s32 $0x1;
	s30 =	simm.s32 $0x3  }
0x7: {  	s2 =	sand.u32 $0x1, s2;
	s7 =	smul.u32 $0x2780, s11;
	[smem:$0x7FF] =	sst s5  }
0x8: {  	s6 =	sadd.s32 $0x54400, s0;
	s9 =	sadd.s32 $0x2C00, s0;
	s10 =	smul.u32 $0x4F000, s11  }
0x9: {  	s18 =	sshll.u32 s11, $0x6;
	s8 =	smul.u32 $0x27800, s2;
	_ =	strace $0x8000004A  }
0xa: {  	[dreg:$0x5] =	wrdreg s9;
	s14 =	sshll.u32 s2, $0x4;
	s15 =	ssub.s32 $0x2, s2  }
0xb: {  	s2 =	smul.u32 $0x27600, s2;
	s16 =	sshrl.u32 s15, $0x1;
	s17 =	sshrl.u32 s10, $0x2  }
0xc: {  	s7 =	sadd.s32 s7, s8;
	s8 =	sor.u32 s11, s14;
	s11 =	smul.u32 $0x2760, s11  }
0xd: {  	s9 =	sadd.s32 s17, s4;
	s0 =	sadd.s32 s7, s0;
	s8 =	smul.u32 $0x2760, s8  }
0xe: {  	s7 =	ssub.s32 s15, s16;
	[dreg:$0x6] =	wrdreg s9;
	s9 =	sor.u32 $0x1C04, s18  }
0xf: {  	s2 =	sadd.s32 s11, s2;
	s0 =	sadd.s32 $0x7B600, s0;
	s7 =	smax.u32 s7, $0x1  }
0x10: {  	s19 =	sshrl.u32 s8, $0x3;
	s8 =	sadd.s32 $0x78, s8;
	[dreg:$0xd] =	wrdreg s0  }
0x11: {  	s23 =	sadd.s32 $0x258, s2;
	s24 =	sadd.s32 $0x1E0, s2;
	[dreg:$0xe] =	wrdreg s7  }
0x12: {  	s26 =	sadd.s32 $0x168, s2;
	s2 =	simm.s32 $0x7B00;
	s7 =	simm.s32 $0x0  }
0x13: {  	s12 =	sadd.s32 s1, s19;
	s20 =	sadd.s32 s3, s19;
	s8 =	sshrl.u32 s8, $0x3  }
0x14: {  	s22 =	sadd.s32 $0x1E, s19;
	s0 =	sshrl.u32 s23, $0x3;
	[dreg:$0xf] =	wrdreg s26  }
0x15: {  	s25 =	sshrl.u32 s24, $0x3;
	s23 =	simm.s32 $0x4;
	[dreg:$0x7] =	wrdreg s12  }
0x16: {  	s24 =	simm.s32 $0x180;
	s26 =	simm.s32 $0x300;
	[dreg:$0x8] =	wrdreg s20  }
.Ltmp0:
0x17: {  	s21 =	sadd.s32 s1, s8;
	s8 =	sadd.s32 s3, s8;
	(pc) =	sbr.rel .LBB2_1-.Ltmp0, $4  }
0x18: {  	s10 =	sadd.s32 s1, s22;
	s18 =	sadd.s32 s0, s3;
	[dreg:$0x9] =	wrdreg s21  }
0x19: {  	s19 =	sadd.s32 s0, s1;
	s20 =	sadd.s32 s25, s3;
	[dreg:$0xa] =	wrdreg s8  }
0x1a: {  	s0 =	simm.s32 $0x280;
	[dreg:$0xb] =	wrdreg s10;
	s8 =	sadd.s32 s3, s22  }
0x1b: {  	s21 =	sadd.s32 s25, s1;
	s25 =	simm.s32 $0x78;
	[dreg:$0xc] =	wrdreg s8  }
.LBB2_4:
0x1c: {  	[bflag:$0x0] =	sbarrier.arrive $0xFFFF  }
0x1d: {  	s10 =	rddreg [dreg:$0xd]  }
0x1e: {  	[hbm:s10], [sflag:s9] =	dma.local [spmem:s8], $0x2780  }
0x1f: {  	_ =	swait.ge [sflag:s23], $0x2780  }
0x20: {  	s7 =	sadd.s32 $0x1, s7;
	s22 =	rddreg [dreg:$0xe]  }
0x21: {  	p0 =	sne.s32 s7, s22  }
.Ltmp1:
0x22: {  	_ = 	snop;
	(pc) =	sbr.rel @!p0 .LBB2_5-.Ltmp1, $3  }
0x23: {  	_ =	sdelay $0x1  }
0x24: {  	[sflag:s23] =	ssyncset.done $0x0  }
0x25: {  	[sflag:s23] =	ssyncadd.s32 $0xFFFFD880  }
.LBB2_1:
0x26: {  	s8 =	rddreg [dreg:$0x6]  }
0x27: {  	s10 =	rddreg [dreg:$0x5];
	s8 =	sshrl.u32 s8, $0x3  }
0x28: {  	[spmem:s8], [sflag:s9] =	dma.local [hbm:s10], $0x2780  }
0x29: {  	_ =	swait.ge [sflag:s23], $0x2780  }
0x2a: {  	[sflag:s23] =	ssyncset.done $0x0  }
0x2b: {  	[sflag:s23] =	ssyncadd.s32 $0xFFFFD880  }
0x2c: {  	[bflag:$0x0] =	sbarrier.arrive $0xFFFF  }
0x2d: {  	s12 =	rddreg [dreg:$0x7]  }
0x2e: {  	[tilespmem:s5], [sflag:$0x4] =	stream.linear.gather [hbm4b:s12+s5], $0x78, $0x38;
	[tilespmem:$0x1F300] =	vst v63  }
0x2f: {  	_ =	swait.ge [sflag:s23], $0x78  }
0x30: {  	[sflag:s23] =	ssyncset.done $0x0  }
0x31: {  	s13 =	rddreg [dreg:$0x8];
	[sflag:s23] =	ssyncadd.s32 $0xFFFFFF88  }
0x32: {  	[tilespmem:s24], [sflag:$0x4] =	stream.linear.gather [hbm4b:s13+s5], $0x78, $0x38;
	[tilespmem:$0x1F300] =	vst v63  }
0x33: {  	_ =	swait.ge [sflag:s23], $0x78  }
0x34: {  	[sflag:s23] =	ssyncset.done $0x0  }
0x35: {  	[sflag:s23] =	ssyncadd.s32 $0xFFFFFF88  }
0x36: {  	[tilespmem:s26], [sflag:$0x1] =	stream.indirect.gather [hbm4b:s6+s25], $0x80, s5, s25, $0xb8;
	[tilespmem:$0x1F300] =	vst v63  }
0x37: {  	s14 =	rddreg [dreg:$0x9]  }
0x38: {  	[tilespmem:s28], [sflag:$0x4] =	stream.linear.gather [hbm4b:s14+s5], $0x78, $0x38;
	[tilespmem:$0x1F300] =	vst v63  }
0x39: {  	_ =	swait.ge [sflag:s23], $0x78  }
0x3a: {  	[sflag:s23] =	ssyncset.done $0x0  }
0x3b: {  	s11 =	simm.s32 $0x200;
	s15 =	rddreg [dreg:$0xa];
	[sflag:s23] =	ssyncadd.s32 $0xFFFFFF88  }
0x3c: {  	[tilespmem:s11], [sflag:$0x4] =	stream.linear.gather [hbm4b:s15+s5], $0x78, $0x38;
	[tilespmem:$0x1F300] =	vst v63  }
0x3d: {  	_ =	swait.ge [sflag:s23], $0x78  }
0x3e: {  	[sflag:s23] =	ssyncset.done $0x0  }
0x3f: {  	s16 =	simm.s32 $0x3F00;
	[sflag:s23] =	ssyncadd.s32 $0xFFFFFF88  }
0x40: {  	[tilespmem:s16], [sflag:$0x2] =	stream.indirect.gather [hbm4b:s6+s25], $0x80, s28, s25, $0xb8;
	[tilespmem:$0x1F300] =	vst v63  }
0x41: {  	s17 =	rddreg [dreg:$0xb]  }
0x42: {  	[tilespmem:s31], [sflag:$0x4] =	stream.linear.gather [hbm4b:s17+s5], $0x78, $0x38;
	[tilespmem:$0x1F300] =	vst v63  }
0x43: {  	_ =	swait.ge [sflag:s23], $0x78  }
0x44: {  	[sflag:s23] =	ssyncset.done $0x0  }
0x45: {  	s22 =	rddreg [dreg:$0xc];
	[sflag:s23] =	ssyncadd.s32 $0xFFFFFF88  }
0x46: {  	[tilespmem:s0], [sflag:$0x4] =	stream.linear.gather [hbm4b:s22+s5], $0x78, $0x38;
	[tilespmem:$0x1F300] =	vst v63  }
0x47: {  	_ =	swait.ge [sflag:s23], $0x78  }
0x48: {  	[sflag:s23] =	ssyncset.done $0x0  }
0x49: {  	s11 =	simm.s32 $0x0;
	s22 =	rddreg [dreg:$0xf];
	[sflag:s23] =	ssyncadd.s32 $0xFFFFFF88  }
0x4a: {  	[tilespmem:s2], [sflag:$0x3] =	stream.indirect.gather [hbm4b:s6+s25], $0x80, s31, s25, $0xb8;
	[tilespmem:$0x1F300] =	vst v63  }
.LBB2_2:
0x4b: {  	_ =	swait.ge [sflag:s29], $0x3C00  }
0x4c: {  	[sflag:s29] =	ssyncset.done $0x0  }
0x4d: {  	[sflag:s29] =	ssyncadd.s32 $0xFFFFC400  }
0x4e: {  	[spmem:s4] =	stream.indirect.scatter.add.f32 [tilespmem:s26], [sflag:$0x4], $0x80, s24, s25, $0xb8;
	[tilespmem:$0x1F300] =	vst v63  }
0x4f: {  	_ =	swait.ge [sflag:s23], $0x3C00  }
0x50: {  	p0 =	seq.s32 s11, $0x4BF;
	[sflag:s23] =	ssyncset.done $0x0  }
0x51: {  	s12 =	simm.s32 @p0 $0x2;
	[sflag:s23] =	ssyncadd.s32 $0xFFFFC400  }
0x52: {  	_ =	swait.ge @p0 [sflag:s12], $0x3C00  }
0x53: {  	s13 =	simm.s32 @p0 $0x200;
	[sflag:s12] =	ssyncset.done @p0 $0x0  }
0x54: {  	s14 =	simm.s32 @p0 $0x3F00;
	[sflag:s12] =	ssyncadd.s32 @p0 $0xFFFFC400;
	s12 =	simm.s32 @p0 $0x78  }
0x55: {  	[spmem:s4] =	stream.indirect.scatter.add.f32 @p0 [tilespmem:s14], [sflag:$0x4], $0x80, s13, s12, $0xb8;
	[tilespmem:$0x1F300] =	vst v63  }
0x56: {  	s12 =	simm.s32 @p0 $0x4  }
0x57: {  	_ =	swait.ge @p0 [sflag:s12], $0x3C00  }
0x58: {  	s13 =	sshrl.u32 @!p0 s22, $0x3;
	[sflag:s12] =	ssyncset.done @p0 $0x0  }
0x59: {  	s14 =	simm.s32 @!p0 $0x0;
	[sflag:s12] =	ssyncadd.s32 @p0 $0xFFFFC400;
	s12 =	sadd.s32 @!p0 s1, s13  }
0x5a: {  	[tilespmem:s14], [sflag:$0x4] =	stream.linear.gather @!p0 [hbm4b:s12+s14], $0x78, $0x38;
	[tilespmem:$0x1F300] =	vst v63  }
0x5b: {  	s12 =	simm.s32 @!p0 $0x4  }
0x5c: {  	_ =	swait.ge @!p0 [sflag:s12], $0x78  }
0x5d: {  	[sflag:s12] =	ssyncset.done @!p0 $0x0  }
0x5e: {  	s15 =	simm.s32 @!p0 $0x180;
	s13 =	sadd.s32 @!p0 s3, s13;
	[sflag:s12] =	ssyncadd.s32 @!p0 $0xFFFFFF88  }
0x5f: {  	[tilespmem:s15], [sflag:$0x4] =	stream.linear.gather @!p0 [hbm4b:s13+s14], $0x78, $0x38;
	[tilespmem:$0x1F300] =	vst v63  }
0x60: {  	_ =	swait.ge @!p0 [sflag:s12], $0x78  }
0x61: {  	[sflag:s12] =	ssyncset.done @!p0 $0x0  }
0x62: {  	s13 =	simm.s32 @!p0 $0x78;
	s15 =	simm.s32 @!p0 $0x300;
	[sflag:s12] =	ssyncadd.s32 @!p0 $0xFFFFFF88  }
0x63: {  	[tilespmem:s15], [sflag:$0x1] =	stream.indirect.gather @!p0 [hbm4b:s6+s13], $0x80, s14, s13, $0xb8;
	[tilespmem:$0x1F300] =	vst v63  }
0x64: {  	s15 =	simm.s32 @!p0 $0x2  }
0x65: {  	_ =	swait.ge @!p0 [sflag:s15], $0x3C00  }
0x66: {  	[sflag:s15] =	ssyncset.done @!p0 $0x0  }
0x67: {  	s16 =	simm.s32 @!p0 $0x3F00;
	[sflag:s15] =	ssyncadd.s32 @!p0 $0xFFFFC400;
	s15 =	simm.s32 @!p0 $0x200  }
0x68: {  	[spmem:s4] =	stream.indirect.scatter.add.f32 @!p0 [tilespmem:s16], [sflag:$0x4], $0x80, s15, s13, $0xb8;
	[tilespmem:$0x1F300] =	vst v63  }
0x69: {  	_ =	swait.ge @!p0 [sflag:s12], $0x3C00  }
0x6a: {  	[sflag:s12] =	ssyncset.done @!p0 $0x0  }
0x6b: {  	s17 =	sadd.s32 @!p0 s11, s21;
	s10 =	simm.s32 @!p0 $0x80;
	[sflag:s12] =	ssyncadd.s32 @!p0 $0xFFFFC400  }
0x6c: {  	[tilespmem:s10], [sflag:$0x4] =	stream.linear.gather @!p0 [hbm4b:s17+s14], $0x78, $0x38;
	[tilespmem:$0x1F300] =	vst v63  }
0x6d: {  	_ =	swait.ge @!p0 [sflag:s12], $0x78  }
0x6e: {  	[sflag:s12] =	ssyncset.done @!p0 $0x0  }
0x6f: {  	s17 =	sadd.s32 @!p0 s11, s20;
	[sflag:s12] =	ssyncadd.s32 @!p0 $0xFFFFFF88  }
0x70: {  	[tilespmem:s15], [sflag:$0x4] =	stream.linear.gather @!p0 [hbm4b:s17+s14], $0x78, $0x38;
	[tilespmem:$0x1F300] =	vst v63  }
0x71: {  	_ =	swait.ge @!p0 [sflag:s12], $0x78  }
0x72: {  	[sflag:s12] =	ssyncset.done @!p0 $0x0  }
0x73: {  	[sflag:s12] =	ssyncadd.s32 @!p0 $0xFFFFFF88  }
0x74: {  	[tilespmem:s16], [sflag:$0x2] =	stream.indirect.gather @!p0 [hbm4b:s6+s13], $0x80, s10, s13, $0xb8;
	[tilespmem:$0x1F300] =	vst v63  }
0x75: {  	_ =	swait.ge [sflag:s30], $0x3C00  }
0x76: {  	[sflag:s30] =	ssyncset.done $0x0  }
.Ltmp2:
0x77: {  	[sflag:s30] =	ssyncadd.s32 $0xFFFFC400;
	(pc) =	sbr.rel @p0 .LBB2_4-.Ltmp2, $4  }
0x78: {  	[spmem:s4] =	stream.indirect.scatter.add.f32 [tilespmem:s2], [sflag:$0x4], $0x80, s0, s25, $0xb8;
	[tilespmem:$0x1F300] =	vst v63  }
0x79: {  	_ =	swait.ge [sflag:s23], $0x3C00  }
0x7a: {  	[sflag:s23] =	ssyncset.done $0x0  }
0x7b: {  	[sflag:s23] =	ssyncadd.s32 $0xFFFFC400  }
0x7c: {  	s10 =	sadd.s32 s11, s19  }
0x7d: {  	[tilespmem:s31], [sflag:$0x4] =	stream.linear.gather [hbm4b:s10+s5], $0x78, $0x38;
	[tilespmem:$0x1F300] =	vst v63  }
0x7e: {  	_ =	swait.ge [sflag:s23], $0x78  }
0x7f: {  	[sflag:s23] =	ssyncset.done $0x0  }
0x80: {  	s17 =	sadd.s32 s11, s18;
	[sflag:s23] =	ssyncadd.s32 $0xFFFFFF88  }
0x81: {  	[tilespmem:s0], [sflag:$0x4] =	stream.linear.gather [hbm4b:s17+s5], $0x78, $0x38;
	[tilespmem:$0x1F300] =	vst v63  }
.Ltmp3:
0x82: {  	_ = 	snop;
	(pc) =	sbr.rel .LBB2_2-.Ltmp3, $4  }
0x83: {  	_ =	swait.ge [sflag:s23], $0x78  }
0x84: {  	[sflag:s23] =	ssyncset.done $0x0  }
0x85: {  	s11 =	sadd.s32 $0x2D, s11;
	s22 =	sadd.s32 $0x168, s22;
	[sflag:s23] =	ssyncadd.s32 $0xFFFFFF88  }
0x86: {  	[tilespmem:s2], [sflag:$0x3] =	stream.indirect.gather [hbm4b:s6+s25], $0x80, s31, s25, $0xb8;
	[tilespmem:$0x1F300] =	vst v63  }
.LBB2_5:
0x87: {  	_ =	sfence.sel $0x180000  }
0x88: {  	[bflag:$0x0] =	sbarrier.arrive $0xFFFF  }
0x89: {  	_ =	strace $0x9000004A  }
0x8a: {  	s0 =	stileid.u32;
	[bflag:$0x2] =	sbarrier.arrive $0xFFFF  }
0x8b: {  	p0 =	sne.s32 s0, $0x0;
	s0 =	rddreg [dreg:$0x4]  }
0x8c: {  	s0 =	sadd.s32 @!p0 $0x100000, s0  }
0x8d: {  	[sflag:s0] =	ssyncadd.tile.s32 @!p0 $0x1;
	_ =	shalt  }
.Lfunc_end2:
_tile_overlayer_lowered:
.L_overlay_start_2:
0x8e: {  	(tag) =	ssettag $0x2  }
0x8f: {  	s0 =	rddreg [dreg:$0x0];
	s2 =	stileid.u32  }
0x90: {  	s1 =	rddreg [dreg:$0x1];
	p0 =	sne.s32 s2, $0x0  }
0x91: {  	s3 =	rddreg [dreg:$0x2];
	[bflag:$0x3] =	sbarrier.arrive $0xFFFF;
	s2 =	simm.s32 @!p0 $0x1C04  }
0x92: {  	[timem:s3], [sflag:s2] =	dma.local @!p0 [hbm:s0], s1  }
0x93: {  	s0 =	simm.s32 @!p0 $0x4  }
0x94: {  	_ =	swait.ge @!p0 [sflag:s0], s1  }
0x95: {  	s1 =	ssub.s32 @!p0 $0x0, s1;
	[sflag:s0] =	ssyncset.done @!p0 $0x0  }
0x96: {  	[sflag:s0] =	ssyncadd.s32 @!p0 s1  }
0x97: {  	[bflag:$0x3] =	sbarrier.arrive $0xFFFF  }
0x98: {  	_ =	shalt  }

// kernel: kernel.15.cloned.1.call-start
scs
__scs_entry_jumppad:
0x0: {  	(pc) =	sbr.rel $0x88, $3  }
0x1: {  	(tag) =	ssettag $0x0;
	lr =	simm.s32 $0x1  }
0x2: {  	[smem:$0x3F99] =	sst lr;
	_ =	strace $0xD0000000  }
0x3: {  	_ = 	snop  }
0x4: {  	_ = 	snop  }
0x5: {  	_ = 	snop  }
0x6: {  	_ = 	snop  }
0x7: {  	_ = 	snop  }
__scs_overlays_trampoline_lowered:
0x8: {  	[smem:$0x3FA8] =	sst s0  }
0x9: {  	[smem:$0x3FA9] =	sst s1  }
0xa: {  	[smem:$0x3FAA] =	sst s2  }
0xb: {  	[smem:$0x3FAB] =	sst s3  }
0xc: {  	[smem:$0x3FAC] =	sst s4  }
0xd: {  	[smem:$0x3FAD] =	sst s5  }
0xe: {  	[smem:$0x3FAE] =	sst s6  }
0xf: {  	[smem:$0x3FAF] =	sst s7  }
0x10: {  	[smem:$0x3FB0] =	sst s8  }
0x11: {  	[smem:$0x3FB1] =	sst s9;
	s0 =	simm.s32 @!p0 $0x0  }
0x12: {  	s1 =	sld [smem:$0x3F97];
	s0 =	simm.s32 @p0 $0x1  }
0x13: {  	[smem:$0x3FB2] =	sst s0;
	s0 =	simm.s32 @!p1 $0x0  }
0x14: {  	s2 =	sld [smem:$0x3F96];
	s0 =	simm.s32 @p1 $0x1  }
0x15: {  	[smem:$0x3FB3] =	sst s0;
	s0 =	simm.s32 @!p2 $0x0  }
0x16: {  	s3 =	sld [smem:$0x3FDB];
	s0 =	simm.s32 @p2 $0x1  }
0x17: {  	s4 =	simm.s32 $0x1BF5;
	[smem:$0x3FB5] =	sst s0  }
0x18: {  	s0 =	sld [smem:$0x3F98];
	_ =	swait.ge [sflag:s4], $0x0  }
0x19: {  	s7 =	sld [smem:$0x3F99]  }
0x1a: {  	s8 =	sadd.s32 $0xFFFFE003, lr  }
0x1b: {  	s9 =	sadd.s32 $0xFFFFFEF7, lr;
	s5 =	simm.s32 $0xFFFFFFFF;
	p2 =	slt.u32 s8, $0xFFFFF086  }
0x1c: {  	p1 =	slt.u32 s9, $0xF7A;
	s5 =	simm.s32 @!p2 $0x0  }
0x1d: {  	s5 =	simm.s32 @p1 $0x1;
	p0 =	seq.s32 s7, s2  }
0x1e: {  	s7 =	smul.u32 @!p0 $0xF7A, s2;
	p2 =	seq.s32 @!p0 s5, $0x0  }
0x1f: {  	s9 =	smul.u32 $0xF7A, s1;
	s8 =	simm.s32 @!p0 $0x1BF5;
	p2 =	por !p2, p0  }
0x20: {  	[sflag:s8] =	ssyncset.s32 @!p0 $0xFFFFF086;
	s6 =	sadd.s32 @!p0 s3, s7;
	s7 =	simm.s32 @!p0 $0x108  }
0x21: {  	s3 =	sadd.s32 s3, s9;
	s6 =	sadd.s32 @!p0 $0x88, s6;
	s7 =	simm.s32 @p2 $0x1082  }
0x22: {  	[simem:s7], [sflag:s8] =	dma.local @!p0 [hbm:s6], $0xF7A  }
0x23: {  	s9 =	sor.u32 $0xD0000000, s2;
	s6 =	simm.s32 $0x108;
	_ =	swait.ge @!p0 [sflag:s8], $0x0  }
0x24: {  	s3 =	sadd.s32 $0x88, s3;
	s6 =	simm.s32 @!p1 $0x1082;
	[sflag:s4] =	ssyncset.s32 $0xFFFFF086  }
0x25: {  	[simem:s6], [sflag:s4] =	dma.local [hbm:s3], $0xF7A  }
0x26: {  	[smem:$0x3F99] =	sst s1;
	(tag) =	ssettag s2;
	_ =	strace s9  }
0x27: {  	s1 =	sld [smem:$0x3FA9]  }
0x28: {  	s2 =	sld [smem:$0x3FAA]  }
0x29: {  	s4 =	sld [smem:$0x3FAC]  }
0x2a: {  	p0 =	seq.s32 s5, $0x0;
	s5 =	sld [smem:$0x3FAD]  }
0x2b: {  	s6 =	sld [smem:$0x3FAE]  }
0x2c: {  	s7 =	sld [smem:$0x3FAF]  }
0x2d: {  	s3 =	simm.s32 $0x108;
	s8 =	sld [smem:$0x3FB0]  }
0x2e: {  	s3 =	simm.s32 @!p0 $0x1082;
	s9 =	sld [smem:$0x3FB1]  }
0x2f: {  	lr =	sadd.s32 s0, s3;
	s0 =	sld [smem:$0x3FA8]  }
0x30: {  	s3 =	sld [smem:$0x3FAB]  }
0x31: {  	[smem:$0x3FB4] =	sst s10  }
0x32: {  	s10 =	sld [smem:$0x3FB2];
	_ =	sdelay $0x3  }
0x33: {  	p0 =	seq.s32 s10, $0x1;
	s10 =	sld [smem:$0x3FB4];
	_ =	sdelay $0x3  }
0x34: {  	[smem:$0x3FB4] =	sst s10  }
0x35: {  	s10 =	sld [smem:$0x3FB3];
	_ =	sdelay $0x3  }
0x36: {  	p1 =	seq.s32 s10, $0x1;
	s10 =	sld [smem:$0x3FB4];
	_ =	sdelay $0x3  }
0x37: {  	[smem:$0x3FB4] =	sst s10  }
0x38: {  	s10 =	sld [smem:$0x3FB5]  }
0x39: {  	_ = 	snop;
	(pc) =	sbr.ind lr, $3  }
0x3a: {  	_ = 	snop  }
0x3b: {  	_ = 	snop  }
0x3c: {  	p2 =	seq.s32 s10, $0x1;
	s10 =	sld [smem:$0x3FB4]  }
0x3d: {  	_ =	shalt  }
0x3e: {  	_ =	shalt  }
0x3f: {  	_ =	shalt  }
0x40: {  	_ =	shalt  }
0x41: {  	_ =	shalt  }
0x42: {  	_ =	shalt  }
0x43: {  	_ =	shalt  }
0x44: {  	_ =	shalt  }
0x45: {  	_ =	shalt  }
0x46: {  	_ =	shalt  }
0x47: {  	_ =	shalt  }
0x48: {  	_ =	shalt  }
0x49: {  	_ =	shalt  }
0x4a: {  	_ =	shalt  }
0x4b: {  	_ =	shalt  }
0x4c: {  	_ =	shalt  }
0x4d: {  	_ =	shalt  }
0x4e: {  	_ =	shalt  }
0x4f: {  	_ =	shalt  }
0x50: {  	_ =	shalt  }
0x51: {  	_ =	shalt  }
0x52: {  	_ =	shalt  }
0x53: {  	_ =	shalt  }
0x54: {  	_ =	shalt  }
0x55: {  	_ =	shalt  }
0x56: {  	_ =	shalt  }
0x57: {  	_ =	shalt  }
0x58: {  	_ =	shalt  }
0x59: {  	_ =	shalt  }
0x5a: {  	_ =	shalt  }
0x5b: {  	_ =	shalt  }
0x5c: {  	_ =	shalt  }
0x5d: {  	_ =	shalt  }
0x5e: {  	_ =	shalt  }
0x5f: {  	_ =	shalt  }
0x60: {  	_ =	shalt  }
0x61: {  	_ =	shalt  }
0x62: {  	_ =	shalt  }
0x63: {  	_ =	shalt  }
0x64: {  	_ =	shalt  }
0x65: {  	_ =	shalt  }
0x66: {  	_ =	shalt  }
0x67: {  	_ =	shalt  }
0x68: {  	_ =	shalt  }
0x69: {  	_ =	shalt  }
0x6a: {  	_ =	shalt  }
0x6b: {  	_ =	shalt  }
0x6c: {  	_ =	shalt  }
0x6d: {  	_ =	shalt  }
0x6e: {  	_ =	shalt  }
0x6f: {  	_ =	shalt  }
0x70: {  	_ =	shalt  }
0x71: {  	_ =	shalt  }
0x72: {  	_ =	shalt  }
0x73: {  	_ =	shalt  }
0x74: {  	_ =	shalt  }
0x75: {  	_ =	shalt  }
0x76: {  	_ =	shalt  }
0x77: {  	_ =	shalt  }
0x78: {  	_ =	shalt  }
0x79: {  	_ =	shalt  }
0x7a: {  	_ =	shalt  }
0x7b: {  	_ =	shalt  }
0x7c: {  	_ =	shalt  }
0x7d: {  	_ =	shalt  }
0x7e: {  	_ =	shalt  }
0x7f: {  	_ =	shalt  }
0x80: {  	_ =	shalt  }
0x81: {  	_ =	shalt  }
0x82: {  	_ =	shalt  }
0x83: {  	_ =	shalt  }
0x84: {  	_ =	shalt  }
0x85: {  	_ =	shalt  }
0x86: {  	_ =	shalt  }
0x87: {  	_ =	shalt  }
.Lfunc_end0:
.L_simem_size_0:
called_computation.2_lowered:
.L_overlay_start_0:
0x88: {  	s2 =	sld [smem:$0x3FD9]  }
0x89: {  	s3 =	sld [smem:$0x3FFE];
	_ =	sdelay $0x1  }
0x8a: {  	s1 =	srdreg.scid  }
0x8b: {  	s0 =	sand.u32 $0x1, s1  }
0x8c: {  	s14 =	sshll.u32 s0, $0xA;
	s2 =	sadd.s32 s3, s2  }
0x8d: {  	s2 =	sadd.s32 s2, s14  }
0x8e: {  	[smem:$0x3FC0] =	sst s2  }
0x8f: {  	_ = 	snop  }
0x90: {  	s2 =	sld [smem:$0x3FD0];
	_ =	sdelay $0x2  }
0x91: {  	s15 =	simm.s32 $0xA;
	s4 =	simm.s32 $0x10  }
0x92: {  	[smem:s4], [sflag:s15] =	dma.local [hbm:s2], $0x1  }
0x93: {  	_ =	swait.eq [sflag:s15], $0x1  }
0x94: {  	[sflag:s15] =	ssyncset.done $0x0  }
0x95: {  	s16 =	sld [smem:$0x10];
	[sflag:s15] =	ssyncadd.s32 $0xFFFFFFFF  }
0x96: {  	s17 =	sld [smem:$0x11];
	(tm) =	ssettm $0x1  }
0x97: {  	s18 =	sld [smem:$0x3FFB];
	_ =	sdelay $0x3  }
0x98: {  	_ =	strace s18  }
0x99: {  	s4 =	sld [smem:$0x3FFC];
	_ =	sdelay $0x3  }
0x9a: {  	_ =	strace s4  }
0x9b: {  	s4 =	sld [smem:$0x3FFD];
	_ =	sdelay $0x3  }
0x9c: {  	_ =	strace s4  }
0x9d: {  	_ =	strace $0x8FFFFFFF  }
0x9e: {  	s19 =	sld [smem:$0x3FDB];
	_ =	sdelay $0x1  }
0x9f: {  	s5 =	simm.s32 $_scs_section_size  }
0xa0: {  	s6 =	simm.s32 $_size__tile_overlayer_lowered;
	s7 =	simm.s32 $_tile_overlayer_lowered  }
0xa1: {  	s22 =	simm.s32 $0x1BFF;
	s21 =	sshll.u32 s7, $0x1;
	s4 =	sadd.s32 s5, s19  }
0xa2: {  	s8 =	simm.s32 $0x0;
	s20 =	sshll.u32 s6, $0x1;
	s6 =	sadd.s32 s21, s4  }
0xa3: {  	[timem:s8], [sflag:s22] =	dma.local [hbm:s6], s20  }
0xa4: {  	_ =	swait.ge [sflag:s22], s20  }
0xa5: {  	s5 =	ssub.s32 $0x0, s20;
	[sflag:s22] =	ssyncset.done $0x0  }
0xa6: {  	[sflag:s22] =	ssyncadd.s32 s5;
	_ =	sdelay $0x1  }
0xa7: {  	s23 =	simm.s32 $0x1B8B  }
0xa8: {  	_ =	swait.ge [sflag:s23], $0x1  }
0xa9: {  	[sflag:s23] =	ssyncset.done $0x0  }
0xaa: {  	s25 =	simm.s32 $0x1B8E;
	s24 =	sld [smem:$0x3FFE];
	[sflag:s23] =	ssyncadd.s32 $0xFFFFFFFF  }
0xab: {  	s26 =	simm.s32 $execute0_lowered;
	[smem:$0x3FD2] =	sst s25  }
0xac: {  	s6 =	sshll.u32 s26, $0x1;
	_ =	strace $0x8000004C;
	[dreg:$0x1] =	wrdreg $0xFFFFFFFF  }
0xad: {  	s28 =	simm.s32 $_size_execute0_lowered;
	s4 =	sadd.s32 s4, s6;
	[dreg:$0x0] =	wrdreg $0x0  }
0xae: {  	s6 =	sshll.u32 s28, $0x1;
	[dreg:$0x2] =	wrdreg s4  }
0xaf: {  	[dreg:$0x3] =	wrdreg s6  }
0xb0: {  	[dreg:$0x4] =	wrdreg $0xC0  }
0xb1: {  	_ =	task [dreg:s8], $0x5FFFF  }
0xb2: {  	[dreg:$0x1] =	wrdreg $0xFFFFFFFF  }
0xb3: {  	[dreg:$0x0] =	wrdreg $0x60  }
0xb4: {  	[dreg:$0x2] =	wrdreg s24  }
0xb5: {  	[dreg:$0x3] =	wrdreg s16  }
0xb6: {  	[dreg:$0x4] =	wrdreg s17  }
0xb7: {  	[dreg:$0x5] =	wrdreg $0xB7000  }
0xb8: {  	[dreg:$0x6] =	wrdreg $0x9  }
0xb9: {  	_ =	task.clear_ibuf [dreg:s8], $0x7FFFF;
	_ =	strace $0x9000004C  }
0xba: {  	s29 =	simm.s32 $0x9;
	_ =	strace $0x8000004E  }
0xbb: {  	_ =	swait.ge [sflag:s29], $0x1  }
0xbc: {  	[sflag:s29] =	ssyncadd.s32 $0xFFFFFFFF  }
0xbd: {  	_ =	strace $0x9000004E  }
0xbe: {  	_ =	sfence  }
0xbf: {  	s30 =	sld [smem:$0x0];
	_ =	sdelay $0x2  }
0xc0: {  	s31 =	sshll.u32 s1, $0xD;
	s1 =	sshrl.u32 s1, $0x2  }
0xc1: {  	s3 =	sand.u32 $0x4000, s31;
	s1 =	sadd.s32 s1, s30  }
0xc2: {  	s0 =	sor.u32 s3, s0;
	s1 =	sshll.u32 s1, $0x11  }
0xc3: {  	s0 =	sor.u32 s1, s0  }
0xc4: {  	s0 =	sadd.s32 $0x8F2B, s0  }
0xc5: {  	[sflag:s0] =	ssyncadd.remote.s32 $0x1  }
0xc6: {  	_ =	sfence.sel $0xFFFF  }
0xc7: {  	[dreg:$0x0] =	wrdreg $0xFFFFFFFF;
	(pc) =	sbr.abs _section_cstart, $3  }
0xc8: {  	[dreg:$0x1] =	wrdreg $0xFFFFFFFF  }
0xc9: {  	_ =	task.clear_ibuf [dreg:s8], $0x2FFFF;
	_ =	strace $0x9FFFFFFF  }
0xca: {  	(tm) =	ssettm $0x7FFFFFFF  }
0xcb: {  	_ =	shalt  }
tec
execute0_lowered:
.L_overlay_start_1:
0x0: {  	(tag) =	ssettag $0x1  }
0x1: {  	s0 =	rddreg [dreg:$0x0]  }
0x2: {  	s1 =	rddreg [dreg:$0x1]  }
0x3: {  	s3 =	rddreg [dreg:$0x2]  }
0x4: {  	s4 =	rddreg [dreg:$0x3];
	s2 =	srdreg.scid  }
0x5: {  	s11 =	stileid.u32;
	s5 =	simm.s32 $0x0;
	s28 =	simm.s32 $0x80  }
0x6: {  	s31 =	simm.s32 $0x100;
	s29 =	simm.s32 $0x1;
	s30 =	simm.s32 $0x3  }
0x7: {  	s2 =	sand.u32 $0x1, s2;
	s7 =	smul.u32 $0x2780, s11;
	[smem:$0x7FF] =	sst s5  }
0x8: {  	s6 =	sadd.s32 $0x54400, s0;
	s9 =	sadd.s32 $0x2C00, s0;
	s10 =	smul.u32 $0x4F000, s11  }
0x9: {  	s18 =	sshll.u32 s11, $0x6;
	s8 =	smul.u32 $0x27800, s2;
	_ =	strace $0x8000004D  }
0xa: {  	[dreg:$0x5] =	wrdreg s9;
	s14 =	sshll.u32 s2, $0x4;
	s15 =	ssub.s32 $0x2, s2  }
0xb: {  	s2 =	smul.u32 $0x27600, s2;
	s16 =	sshrl.u32 s15, $0x1;
	s17 =	sshrl.u32 s10, $0x2  }
0xc: {  	s7 =	sadd.s32 s7, s8;
	s8 =	sor.u32 s11, s14;
	s11 =	smul.u32 $0x2760, s11  }
0xd: {  	s9 =	sadd.s32 s17, s4;
	s0 =	sadd.s32 s7, s0;
	s8 =	smul.u32 $0x2760, s8  }
0xe: {  	s7 =	ssub.s32 s15, s16;
	[dreg:$0x6] =	wrdreg s9;
	s9 =	sor.u32 $0x1C04, s18  }
0xf: {  	s2 =	sadd.s32 s11, s2;
	s0 =	sadd.s32 $0x7B600, s0;
	s7 =	smax.u32 s7, $0x1  }
0x10: {  	s19 =	sshrl.u32 s8, $0x3;
	s8 =	sadd.s32 $0x78, s8;
	[dreg:$0xd] =	wrdreg s0  }
0x11: {  	s23 =	sadd.s32 $0x258, s2;
	s24 =	sadd.s32 $0x1E0, s2;
	[dreg:$0xe] =	wrdreg s7  }
0x12: {  	s26 =	sadd.s32 $0x168, s2;
	s2 =	simm.s32 $0x7B00;
	s7 =	simm.s32 $0x0  }
0x13: {  	s12 =	sadd.s32 s1, s19;
	s20 =	sadd.s32 s3, s19;
	s8 =	sshrl.u32 s8, $0x3  }
0x14: {  	s22 =	sadd.s32 $0x1E, s19;
	s0 =	sshrl.u32 s23, $0x3;
	[dreg:$0xf] =	wrdreg s26  }
0x15: {  	s25 =	sshrl.u32 s24, $0x3;
	s23 =	simm.s32 $0x4;
	[dreg:$0x7] =	wrdreg s12  }
0x16: {  	s24 =	simm.s32 $0x180;
	s26 =	simm.s32 $0x300;
	[dreg:$0x8] =	wrdreg s20  }
.Ltmp0:
0x17: {  	s21 =	sadd.s32 s1, s8;
	s8 =	sadd.s32 s3, s8;
	(pc) =	sbr.rel .LBB2_1-.Ltmp0, $4  }
0x18: {  	s10 =	sadd.s32 s1, s22;
	s18 =	sadd.s32 s0, s3;
	[dreg:$0x9] =	wrdreg s21  }
0x19: {  	s19 =	sadd.s32 s0, s1;
	s20 =	sadd.s32 s25, s3;
	[dreg:$0xa] =	wrdreg s8  }
0x1a: {  	s0 =	simm.s32 $0x280;
	[dreg:$0xb] =	wrdreg s10;
	s8 =	sadd.s32 s3, s22  }
0x1b: {  	s21 =	sadd.s32 s25, s1;
	s25 =	simm.s32 $0x78;
	[dreg:$0xc] =	wrdreg s8  }
.LBB2_4:
0x1c: {  	[bflag:$0x0] =	sbarrier.arrive $0xFFFF  }
0x1d: {  	s10 =	rddreg [dreg:$0xd]  }
0x1e: {  	[hbm:s10], [sflag:s9] =	dma.local [spmem:s8], $0x2780  }
0x1f: {  	_ =	swait.ge [sflag:s23], $0x2780  }
0x20: {  	s7 =	sadd.s32 $0x1, s7;
	s22 =	rddreg [dreg:$0xe]  }
0x21: {  	p0 =	sne.s32 s7, s22  }
.Ltmp1:
0x22: {  	_ = 	snop;
	(pc) =	sbr.rel @!p0 .LBB2_5-.Ltmp1, $3  }
0x23: {  	_ =	sdelay $0x1  }
0x24: {  	[sflag:s23] =	ssyncset.done $0x0  }
0x25: {  	[sflag:s23] =	ssyncadd.s32 $0xFFFFD880  }
.LBB2_1:
0x26: {  	s8 =	rddreg [dreg:$0x6]  }
0x27: {  	s10 =	rddreg [dreg:$0x5];
	s8 =	sshrl.u32 s8, $0x3  }
0x28: {  	[spmem:s8], [sflag:s9] =	dma.local [hbm:s10], $0x2780  }
0x29: {  	_ =	swait.ge [sflag:s23], $0x2780  }
0x2a: {  	[sflag:s23] =	ssyncset.done $0x0  }
0x2b: {  	[sflag:s23] =	ssyncadd.s32 $0xFFFFD880  }
0x2c: {  	[bflag:$0x0] =	sbarrier.arrive $0xFFFF  }
0x2d: {  	s12 =	rddreg [dreg:$0x7]  }
0x2e: {  	[tilespmem:s5], [sflag:$0x4] =	stream.linear.gather [hbm4b:s12+s5], $0x78, $0x38;
	[tilespmem:$0x1F300] =	vst v63  }
0x2f: {  	_ =	swait.ge [sflag:s23], $0x78  }
0x30: {  	[sflag:s23] =	ssyncset.done $0x0  }
0x31: {  	s13 =	rddreg [dreg:$0x8];
	[sflag:s23] =	ssyncadd.s32 $0xFFFFFF88  }
0x32: {  	[tilespmem:s24], [sflag:$0x4] =	stream.linear.gather [hbm4b:s13+s5], $0x78, $0x38;
	[tilespmem:$0x1F300] =	vst v63  }
0x33: {  	_ =	swait.ge [sflag:s23], $0x78  }
0x34: {  	[sflag:s23] =	ssyncset.done $0x0  }
0x35: {  	[sflag:s23] =	ssyncadd.s32 $0xFFFFFF88  }
0x36: {  	[tilespmem:s26], [sflag:$0x1] =	stream.indirect.gather [hbm4b:s6+s25], $0x80, s5, s25, $0xb8;
	[tilespmem:$0x1F300] =	vst v63  }
0x37: {  	s14 =	rddreg [dreg:$0x9]  }
0x38: {  	[tilespmem:s28], [sflag:$0x4] =	stream.linear.gather [hbm4b:s14+s5], $0x78, $0x38;
	[tilespmem:$0x1F300] =	vst v63  }
0x39: {  	_ =	swait.ge [sflag:s23], $0x78  }
0x3a: {  	[sflag:s23] =	ssyncset.done $0x0  }
0x3b: {  	s11 =	simm.s32 $0x200;
	s15 =	rddreg [dreg:$0xa];
	[sflag:s23] =	ssyncadd.s32 $0xFFFFFF88  }
0x3c: {  	[tilespmem:s11], [sflag:$0x4] =	stream.linear.gather [hbm4b:s15+s5], $0x78, $0x38;
	[tilespmem:$0x1F300] =	vst v63  }
0x3d: {  	_ =	swait.ge [sflag:s23], $0x78  }
0x3e: {  	[sflag:s23] =	ssyncset.done $0x0  }
0x3f: {  	s16 =	simm.s32 $0x3F00;
	[sflag:s23] =	ssyncadd.s32 $0xFFFFFF88  }
0x40: {  	[tilespmem:s16], [sflag:$0x2] =	stream.indirect.gather [hbm4b:s6+s25], $0x80, s28, s25, $0xb8;
	[tilespmem:$0x1F300] =	vst v63  }
0x41: {  	s17 =	rddreg [dreg:$0xb]  }
0x42: {  	[tilespmem:s31], [sflag:$0x4] =	stream.linear.gather [hbm4b:s17+s5], $0x78, $0x38;
	[tilespmem:$0x1F300] =	vst v63  }
0x43: {  	_ =	swait.ge [sflag:s23], $0x78  }
0x44: {  	[sflag:s23] =	ssyncset.done $0x0  }
0x45: {  	s22 =	rddreg [dreg:$0xc];
	[sflag:s23] =	ssyncadd.s32 $0xFFFFFF88  }
0x46: {  	[tilespmem:s0], [sflag:$0x4] =	stream.linear.gather [hbm4b:s22+s5], $0x78, $0x38;
	[tilespmem:$0x1F300] =	vst v63  }
0x47: {  	_ =	swait.ge [sflag:s23], $0x78  }
0x48: {  	[sflag:s23] =	ssyncset.done $0x0  }
0x49: {  	s11 =	simm.s32 $0x0;
	s22 =	rddreg [dreg:$0xf];
	[sflag:s23] =	ssyncadd.s32 $0xFFFFFF88  }
0x4a: {  	[tilespmem:s2], [sflag:$0x3] =	stream.indirect.gather [hbm4b:s6+s25], $0x80, s31, s25, $0xb8;
	[tilespmem:$0x1F300] =	vst v63  }
.LBB2_2:
0x4b: {  	_ =	swait.ge [sflag:s29], $0x3C00  }
0x4c: {  	[sflag:s29] =	ssyncset.done $0x0  }
0x4d: {  	[sflag:s29] =	ssyncadd.s32 $0xFFFFC400  }
0x4e: {  	[spmem:s4] =	stream.indirect.scatter.add.f32 [tilespmem:s26], [sflag:$0x4], $0x80, s24, s25, $0xb8;
	[tilespmem:$0x1F300] =	vst v63  }
0x4f: {  	_ =	swait.ge [sflag:s23], $0x3C00  }
0x50: {  	p0 =	seq.s32 s11, $0x4BF;
	[sflag:s23] =	ssyncset.done $0x0  }
0x51: {  	s12 =	simm.s32 @p0 $0x2;
	[sflag:s23] =	ssyncadd.s32 $0xFFFFC400  }
0x52: {  	_ =	swait.ge @p0 [sflag:s12], $0x3C00  }
0x53: {  	s13 =	simm.s32 @p0 $0x200;
	[sflag:s12] =	ssyncset.done @p0 $0x0  }
0x54: {  	s14 =	simm.s32 @p0 $0x3F00;
	[sflag:s12] =	ssyncadd.s32 @p0 $0xFFFFC400;
	s12 =	simm.s32 @p0 $0x78  }
0x55: {  	[spmem:s4] =	stream.indirect.scatter.add.f32 @p0 [tilespmem:s14], [sflag:$0x4], $0x80, s13, s12, $0xb8;
	[tilespmem:$0x1F300] =	vst v63  }
0x56: {  	s12 =	simm.s32 @p0 $0x4  }
0x57: {  	_ =	swait.ge @p0 [sflag:s12], $0x3C00  }
0x58: {  	s13 =	sshrl.u32 @!p0 s22, $0x3;
	[sflag:s12] =	ssyncset.done @p0 $0x0  }
0x59: {  	s14 =	simm.s32 @!p0 $0x0;
	[sflag:s12] =	ssyncadd.s32 @p0 $0xFFFFC400;
	s12 =	sadd.s32 @!p0 s1, s13  }
0x5a: {  	[tilespmem:s14], [sflag:$0x4] =	stream.linear.gather @!p0 [hbm4b:s12+s14], $0x78, $0x38;
	[tilespmem:$0x1F300] =	vst v63  }
0x5b: {  	s12 =	simm.s32 @!p0 $0x4  }
0x5c: {  	_ =	swait.ge @!p0 [sflag:s12], $0x78  }
0x5d: {  	[sflag:s12] =	ssyncset.done @!p0 $0x0  }
0x5e: {  	s15 =	simm.s32 @!p0 $0x180;
	s13 =	sadd.s32 @!p0 s3, s13;
	[sflag:s12] =	ssyncadd.s32 @!p0 $0xFFFFFF88  }
0x5f: {  	[tilespmem:s15], [sflag:$0x4] =	stream.linear.gather @!p0 [hbm4b:s13+s14], $0x78, $0x38;
	[tilespmem:$0x1F300] =	vst v63  }
0x60: {  	_ =	swait.ge @!p0 [sflag:s12], $0x78  }
0x61: {  	[sflag:s12] =	ssyncset.done @!p0 $0x0  }
0x62: {  	s13 =	simm.s32 @!p0 $0x78;
	s15 =	simm.s32 @!p0 $0x300;
	[sflag:s12] =	ssyncadd.s32 @!p0 $0xFFFFFF88  }
0x63: {  	[tilespmem:s15], [sflag:$0x1] =	stream.indirect.gather @!p0 [hbm4b:s6+s13], $0x80, s14, s13, $0xb8;
	[tilespmem:$0x1F300] =	vst v63  }
0x64: {  	s15 =	simm.s32 @!p0 $0x2  }
0x65: {  	_ =	swait.ge @!p0 [sflag:s15], $0x3C00  }
0x66: {  	[sflag:s15] =	ssyncset.done @!p0 $0x0  }
0x67: {  	s16 =	simm.s32 @!p0 $0x3F00;
	[sflag:s15] =	ssyncadd.s32 @!p0 $0xFFFFC400;
	s15 =	simm.s32 @!p0 $0x200  }
0x68: {  	[spmem:s4] =	stream.indirect.scatter.add.f32 @!p0 [tilespmem:s16], [sflag:$0x4], $0x80, s15, s13, $0xb8;
	[tilespmem:$0x1F300] =	vst v63  }
0x69: {  	_ =	swait.ge @!p0 [sflag:s12], $0x3C00  }
0x6a: {  	[sflag:s12] =	ssyncset.done @!p0 $0x0  }
0x6b: {  	s17 =	sadd.s32 @!p0 s11, s21;
	s10 =	simm.s32 @!p0 $0x80;
	[sflag:s12] =	ssyncadd.s32 @!p0 $0xFFFFC400  }
0x6c: {  	[tilespmem:s10], [sflag:$0x4] =	stream.linear.gather @!p0 [hbm4b:s17+s14], $0x78, $0x38;
	[tilespmem:$0x1F300] =	vst v63  }
0x6d: {  	_ =	swait.ge @!p0 [sflag:s12], $0x78  }
0x6e: {  	[sflag:s12] =	ssyncset.done @!p0 $0x0  }
0x6f: {  	s17 =	sadd.s32 @!p0 s11, s20;
	[sflag:s12] =	ssyncadd.s32 @!p0 $0xFFFFFF88  }
0x70: {  	[tilespmem:s15], [sflag:$0x4] =	stream.linear.gather @!p0 [hbm4b:s17+s14], $0x78, $0x38;
	[tilespmem:$0x1F300] =	vst v63  }
0x71: {  	_ =	swait.ge @!p0 [sflag:s12], $0x78  }
0x72: {  	[sflag:s12] =	ssyncset.done @!p0 $0x0  }
0x73: {  	[sflag:s12] =	ssyncadd.s32 @!p0 $0xFFFFFF88  }
0x74: {  	[tilespmem:s16], [sflag:$0x2] =	stream.indirect.gather @!p0 [hbm4b:s6+s13], $0x80, s10, s13, $0xb8;
	[tilespmem:$0x1F300] =	vst v63  }
0x75: {  	_ =	swait.ge [sflag:s30], $0x3C00  }
0x76: {  	[sflag:s30] =	ssyncset.done $0x0  }
.Ltmp2:
0x77: {  	[sflag:s30] =	ssyncadd.s32 $0xFFFFC400;
	(pc) =	sbr.rel @p0 .LBB2_4-.Ltmp2, $4  }
0x78: {  	[spmem:s4] =	stream.indirect.scatter.add.f32 [tilespmem:s2], [sflag:$0x4], $0x80, s0, s25, $0xb8;
	[tilespmem:$0x1F300] =	vst v63  }
0x79: {  	_ =	swait.ge [sflag:s23], $0x3C00  }
0x7a: {  	[sflag:s23] =	ssyncset.done $0x0  }
0x7b: {  	[sflag:s23] =	ssyncadd.s32 $0xFFFFC400  }
0x7c: {  	s10 =	sadd.s32 s11, s19  }
0x7d: {  	[tilespmem:s31], [sflag:$0x4] =	stream.linear.gather [hbm4b:s10+s5], $0x78, $0x38;
	[tilespmem:$0x1F300] =	vst v63  }
0x7e: {  	_ =	swait.ge [sflag:s23], $0x78  }
0x7f: {  	[sflag:s23] =	ssyncset.done $0x0  }
0x80: {  	s17 =	sadd.s32 s11, s18;
	[sflag:s23] =	ssyncadd.s32 $0xFFFFFF88  }
0x81: {  	[tilespmem:s0], [sflag:$0x4] =	stream.linear.gather [hbm4b:s17+s5], $0x78, $0x38;
	[tilespmem:$0x1F300] =	vst v63  }
.Ltmp3:
0x82: {  	_ = 	snop;
	(pc) =	sbr.rel .LBB2_2-.Ltmp3, $4  }
0x83: {  	_ =	swait.ge [sflag:s23], $0x78  }
0x84: {  	[sflag:s23] =	ssyncset.done $0x0  }
0x85: {  	s11 =	sadd.s32 $0x2D, s11;
	s22 =	sadd.s32 $0x168, s22;
	[sflag:s23] =	ssyncadd.s32 $0xFFFFFF88  }
0x86: {  	[tilespmem:s2], [sflag:$0x3] =	stream.indirect.gather [hbm4b:s6+s25], $0x80, s31, s25, $0xb8;
	[tilespmem:$0x1F300] =	vst v63  }
.LBB2_5:
0x87: {  	_ =	sfence.sel $0x180000  }
0x88: {  	[bflag:$0x0] =	sbarrier.arrive $0xFFFF  }
0x89: {  	_ =	strace $0x9000004D  }
0x8a: {  	s0 =	stileid.u32;
	[bflag:$0x2] =	sbarrier.arrive $0xFFFF  }
0x8b: {  	p0 =	sne.s32 s0, $0x0;
	s0 =	rddreg [dreg:$0x4]  }
0x8c: {  	s0 =	sadd.s32 @!p0 $0x100000, s0  }
0x8d: {  	[sflag:s0] =	ssyncadd.tile.s32 @!p0 $0x1;
	_ =	shalt  }
.Lfunc_end2:
_tile_overlayer_lowered:
.L_overlay_start_2:
0x8e: {  	(tag) =	ssettag $0x2  }
0x8f: {  	s0 =	rddreg [dreg:$0x0];
	s2 =	stileid.u32  }
0x90: {  	s1 =	rddreg [dreg:$0x1];
	p0 =	sne.s32 s2, $0x0  }
0x91: {  	s3 =	rddreg [dreg:$0x2];
	[bflag:$0x3] =	sbarrier.arrive $0xFFFF;
	s2 =	simm.s32 @!p0 $0x1C04  }
0x92: {  	[timem:s3], [sflag:s2] =	dma.local @!p0 [hbm:s0], s1  }
0x93: {  	s0 =	simm.s32 @!p0 $0x4  }
0x94: {  	_ =	swait.ge @!p0 [sflag:s0], s1  }
0x95: {  	s1 =	ssub.s32 @!p0 $0x0, s1;
	[sflag:s0] =	ssyncset.done @!p0 $0x0  }
0x96: {  	[sflag:s0] =	ssyncadd.s32 @!p0 s1  }
0x97: {  	[bflag:$0x3] =	sbarrier.arrive $0xFFFF  }
0x98: {  	_ =	shalt  }

// kernel: kernel.9.cloned.1.call-start
scs
__scs_entry_jumppad:
0x0: {  	(pc) =	sbr.rel $0x88, $3  }
0x1: {  	(tag) =	ssettag $0x0;
	lr =	simm.s32 $0x1  }
0x2: {  	[smem:$0x3F99] =	sst lr;
	_ =	strace $0xD0000000  }
0x3: {  	_ = 	snop  }
0x4: {  	_ = 	snop  }
0x5: {  	_ = 	snop  }
0x6: {  	_ = 	snop  }
0x7: {  	_ = 	snop  }
__scs_overlays_trampoline_lowered:
0x8: {  	[smem:$0x3FA8] =	sst s0  }
0x9: {  	[smem:$0x3FA9] =	sst s1  }
0xa: {  	[smem:$0x3FAA] =	sst s2  }
0xb: {  	[smem:$0x3FAB] =	sst s3  }
0xc: {  	[smem:$0x3FAC] =	sst s4  }
0xd: {  	[smem:$0x3FAD] =	sst s5  }
0xe: {  	[smem:$0x3FAE] =	sst s6  }
0xf: {  	[smem:$0x3FAF] =	sst s7  }
0x10: {  	[smem:$0x3FB0] =	sst s8  }
0x11: {  	[smem:$0x3FB1] =	sst s9;
	s0 =	simm.s32 @!p0 $0x0  }
0x12: {  	s1 =	sld [smem:$0x3F97];
	s0 =	simm.s32 @p0 $0x1  }
0x13: {  	[smem:$0x3FB2] =	sst s0;
	s0 =	simm.s32 @!p1 $0x0  }
0x14: {  	s2 =	sld [smem:$0x3F96];
	s0 =	simm.s32 @p1 $0x1  }
0x15: {  	[smem:$0x3FB3] =	sst s0;
	s0 =	simm.s32 @!p2 $0x0  }
0x16: {  	s3 =	sld [smem:$0x3FDB];
	s0 =	simm.s32 @p2 $0x1  }
0x17: {  	s4 =	simm.s32 $0x1BF5;
	[smem:$0x3FB5] =	sst s0  }
0x18: {  	s0 =	sld [smem:$0x3F98];
	_ =	swait.ge [sflag:s4], $0x0  }
0x19: {  	s7 =	sld [smem:$0x3F99]  }
0x1a: {  	s8 =	sadd.s32 $0xFFFFE003, lr  }
0x1b: {  	s9 =	sadd.s32 $0xFFFFFEF7, lr;
	s5 =	simm.s32 $0xFFFFFFFF;
	p2 =	slt.u32 s8, $0xFFFFF086  }
0x1c: {  	p1 =	slt.u32 s9, $0xF7A;
	s5 =	simm.s32 @!p2 $0x0  }
0x1d: {  	s5 =	simm.s32 @p1 $0x1;
	p0 =	seq.s32 s7, s2  }
0x1e: {  	s7 =	smul.u32 @!p0 $0xF7A, s2;
	p2 =	seq.s32 @!p0 s5, $0x0  }
0x1f: {  	s9 =	smul.u32 $0xF7A, s1;
	s8 =	simm.s32 @!p0 $0x1BF5;
	p2 =	por !p2, p0  }
0x20: {  	[sflag:s8] =	ssyncset.s32 @!p0 $0xFFFFF086;
	s6 =	sadd.s32 @!p0 s3, s7;
	s7 =	simm.s32 @!p0 $0x108  }
0x21: {  	s3 =	sadd.s32 s3, s9;
	s6 =	sadd.s32 @!p0 $0x88, s6;
	s7 =	simm.s32 @p2 $0x1082  }
0x22: {  	[simem:s7], [sflag:s8] =	dma.local @!p0 [hbm:s6], $0xF7A  }
0x23: {  	s9 =	sor.u32 $0xD0000000, s2;
	s6 =	simm.s32 $0x108;
	_ =	swait.ge @!p0 [sflag:s8], $0x0  }
0x24: {  	s3 =	sadd.s32 $0x88, s3;
	s6 =	simm.s32 @!p1 $0x1082;
	[sflag:s4] =	ssyncset.s32 $0xFFFFF086  }
0x25: {  	[simem:s6], [sflag:s4] =	dma.local [hbm:s3], $0xF7A  }
0x26: {  	[smem:$0x3F99] =	sst s1;
	(tag) =	ssettag s2;
	_ =	strace s9  }
0x27: {  	s1 =	sld [smem:$0x3FA9]  }
0x28: {  	s2 =	sld [smem:$0x3FAA]  }
0x29: {  	s4 =	sld [smem:$0x3FAC]  }
0x2a: {  	p0 =	seq.s32 s5, $0x0;
	s5 =	sld [smem:$0x3FAD]  }
0x2b: {  	s6 =	sld [smem:$0x3FAE]  }
0x2c: {  	s7 =	sld [smem:$0x3FAF]  }
0x2d: {  	s3 =	simm.s32 $0x108;
	s8 =	sld [smem:$0x3FB0]  }
0x2e: {  	s3 =	simm.s32 @!p0 $0x1082;
	s9 =	sld [smem:$0x3FB1]  }
0x2f: {  	lr =	sadd.s32 s0, s3;
	s0 =	sld [smem:$0x3FA8]  }
0x30: {  	s3 =	sld [smem:$0x3FAB]  }
0x31: {  	[smem:$0x3FB4] =	sst s10  }
0x32: {  	s10 =	sld [smem:$0x3FB2];
	_ =	sdelay $0x3  }
0x33: {  	p0 =	seq.s32 s10, $0x1;
	s10 =	sld [smem:$0x3FB4];
	_ =	sdelay $0x3  }
0x34: {  	[smem:$0x3FB4] =	sst s10  }
0x35: {  	s10 =	sld [smem:$0x3FB3];
	_ =	sdelay $0x3  }
0x36: {  	p1 =	seq.s32 s10, $0x1;
	s10 =	sld [smem:$0x3FB4];
	_ =	sdelay $0x3  }
0x37: {  	[smem:$0x3FB4] =	sst s10  }
0x38: {  	s10 =	sld [smem:$0x3FB5]  }
0x39: {  	_ = 	snop;
	(pc) =	sbr.ind lr, $3  }
0x3a: {  	_ = 	snop  }
0x3b: {  	_ = 	snop  }
0x3c: {  	p2 =	seq.s32 s10, $0x1;
	s10 =	sld [smem:$0x3FB4]  }
0x3d: {  	_ =	shalt  }
0x3e: {  	_ =	shalt  }
0x3f: {  	_ =	shalt  }
0x40: {  	_ =	shalt  }
0x41: {  	_ =	shalt  }
0x42: {  	_ =	shalt  }
0x43: {  	_ =	shalt  }
0x44: {  	_ =	shalt  }
0x45: {  	_ =	shalt  }
0x46: {  	_ =	shalt  }
0x47: {  	_ =	shalt  }
0x48: {  	_ =	shalt  }
0x49: {  	_ =	shalt  }
0x4a: {  	_ =	shalt  }
0x4b: {  	_ =	shalt  }
0x4c: {  	_ =	shalt  }
0x4d: {  	_ =	shalt  }
0x4e: {  	_ =	shalt  }
0x4f: {  	_ =	shalt  }
0x50: {  	_ =	shalt  }
0x51: {  	_ =	shalt  }
0x52: {  	_ =	shalt  }
0x53: {  	_ =	shalt  }
0x54: {  	_ =	shalt  }
0x55: {  	_ =	shalt  }
0x56: {  	_ =	shalt  }
0x57: {  	_ =	shalt  }
0x58: {  	_ =	shalt  }
0x59: {  	_ =	shalt  }
0x5a: {  	_ =	shalt  }
0x5b: {  	_ =	shalt  }
0x5c: {  	_ =	shalt  }
0x5d: {  	_ =	shalt  }
0x5e: {  	_ =	shalt  }
0x5f: {  	_ =	shalt  }
0x60: {  	_ =	shalt  }
0x61: {  	_ =	shalt  }
0x62: {  	_ =	shalt  }
0x63: {  	_ =	shalt  }
0x64: {  	_ =	shalt  }
0x65: {  	_ =	shalt  }
0x66: {  	_ =	shalt  }
0x67: {  	_ =	shalt  }
0x68: {  	_ =	shalt  }
0x69: {  	_ =	shalt  }
0x6a: {  	_ =	shalt  }
0x6b: {  	_ =	shalt  }
0x6c: {  	_ =	shalt  }
0x6d: {  	_ =	shalt  }
0x6e: {  	_ =	shalt  }
0x6f: {  	_ =	shalt  }
0x70: {  	_ =	shalt  }
0x71: {  	_ =	shalt  }
0x72: {  	_ =	shalt  }
0x73: {  	_ =	shalt  }
0x74: {  	_ =	shalt  }
0x75: {  	_ =	shalt  }
0x76: {  	_ =	shalt  }
0x77: {  	_ =	shalt  }
0x78: {  	_ =	shalt  }
0x79: {  	_ =	shalt  }
0x7a: {  	_ =	shalt  }
0x7b: {  	_ =	shalt  }
0x7c: {  	_ =	shalt  }
0x7d: {  	_ =	shalt  }
0x7e: {  	_ =	shalt  }
0x7f: {  	_ =	shalt  }
0x80: {  	_ =	shalt  }
0x81: {  	_ =	shalt  }
0x82: {  	_ =	shalt  }
0x83: {  	_ =	shalt  }
0x84: {  	_ =	shalt  }
0x85: {  	_ =	shalt  }
0x86: {  	_ =	shalt  }
0x87: {  	_ =	shalt  }
.Lfunc_end0:
.L_simem_size_0:
called_computation_lowered:
.L_overlay_start_0:
0x88: {  	s2 =	sld [smem:$0x3FD9]  }
0x89: {  	s3 =	sld [smem:$0x3FFE];
	_ =	sdelay $0x1  }
0x8a: {  	s1 =	srdreg.scid  }
0x8b: {  	s0 =	sand.u32 $0x1, s1  }
0x8c: {  	s14 =	sshll.u32 s0, $0xA;
	s2 =	sadd.s32 s3, s2  }
0x8d: {  	s2 =	sadd.s32 s2, s14  }
0x8e: {  	[smem:$0x3FC0] =	sst s2  }
0x8f: {  	_ = 	snop  }
0x90: {  	s2 =	sld [smem:$0x3FD0];
	_ =	sdelay $0x2  }
0x91: {  	s15 =	simm.s32 $0xA;
	s4 =	simm.s32 $0x10  }
0x92: {  	[smem:s4], [sflag:s15] =	dma.local [hbm:s2], $0x1  }
0x93: {  	_ =	swait.eq [sflag:s15], $0x1  }
0x94: {  	[sflag:s15] =	ssyncset.done $0x0  }
0x95: {  	[sflag:s15] =	ssyncadd.s32 $0xFFFFFFFF  }
0x96: {  	s16 =	sld [smem:$0x11];
	(tm) =	ssettm $0x1  }
0x97: {  	s17 =	sld [smem:$0x3FFB];
	_ =	sdelay $0x3  }
0x98: {  	_ =	strace s17  }
0x99: {  	s3 =	sld [smem:$0x3FFC];
	_ =	sdelay $0x3  }
0x9a: {  	_ =	strace s3  }
0x9b: {  	s3 =	sld [smem:$0x3FFD];
	_ =	sdelay $0x3  }
0x9c: {  	_ =	strace s3  }
0x9d: {  	_ =	strace $0x8FFFFFFF  }
0x9e: {  	s18 =	sld [smem:$0x3FDB];
	_ =	sdelay $0x1  }
0x9f: {  	s19 =	simm.s32 $_scs_section_size  }
0xa0: {  	s5 =	simm.s32 $_size__tile_overlayer_lowered;
	s6 =	simm.s32 $_tile_overlayer_lowered  }
0xa1: {  	s22 =	simm.s32 $0x1BFF;
	s21 =	sshll.u32 s6, $0x1;
	s3 =	sadd.s32 s19, s18  }
0xa2: {  	s7 =	simm.s32 $0x0;
	s20 =	sshll.u32 s5, $0x1;
	s5 =	sadd.s32 s21, s3  }
0xa3: {  	[timem:s7], [sflag:s22] =	dma.local [hbm:s5], s20  }
0xa4: {  	_ =	swait.ge [sflag:s22], s20  }
0xa5: {  	s4 =	ssub.s32 $0x0, s20;
	[sflag:s22] =	ssyncset.done $0x0  }
0xa6: {  	[sflag:s22] =	ssyncadd.s32 s4;
	_ =	sdelay $0x1  }
0xa7: {  	s23 =	simm.s32 $0x1B8B  }
0xa8: {  	_ =	swait.ge [sflag:s23], $0x1  }
0xa9: {  	[sflag:s23] =	ssyncset.done $0x0  }
0xaa: {  	s25 =	simm.s32 $0x1B8E;
	s24 =	sld [smem:$0x3FFE];
	[sflag:s23] =	ssyncadd.s32 $0xFFFFFFFF  }
0xab: {  	s26 =	simm.s32 $execute0_lowered;
	[smem:$0x3FD2] =	sst s25  }
0xac: {  	s5 =	sshll.u32 s26, $0x1;
	_ =	strace $0x80000046;
	[dreg:$0x1] =	wrdreg $0xFFFFFFFF  }
0xad: {  	s28 =	simm.s32 $_size_execute0_lowered;
	s3 =	sadd.s32 s3, s5;
	[dreg:$0x0] =	wrdreg $0x0  }
0xae: {  	s5 =	sshll.u32 s28, $0x1;
	[dreg:$0x2] =	wrdreg s3  }
0xaf: {  	[dreg:$0x3] =	wrdreg s5  }
0xb0: {  	[dreg:$0x4] =	wrdreg $0xC0  }
0xb1: {  	_ =	task [dreg:s7], $0x5FFFF  }
0xb2: {  	[dreg:$0x1] =	wrdreg $0xFFFFFFFF  }
0xb3: {  	[dreg:$0x0] =	wrdreg $0x60  }
0xb4: {  	[dreg:$0x2] =	wrdreg s16  }
0xb5: {  	[dreg:$0x3] =	wrdreg s24  }
0xb6: {  	[dreg:$0x4] =	wrdreg $0x3D000  }
0xb7: {  	[dreg:$0x5] =	wrdreg $0x9  }
0xb8: {  	_ =	task.clear_ibuf [dreg:s7], $0x6FFFF;
	_ =	strace $0x90000046  }
0xb9: {  	s29 =	simm.s32 $0x9;
	_ =	strace $0x80000048  }
0xba: {  	_ =	swait.ge [sflag:s29], $0x1  }
0xbb: {  	[sflag:s29] =	ssyncadd.s32 $0xFFFFFFFF  }
0xbc: {  	_ =	strace $0x90000048  }
0xbd: {  	_ =	sfence  }
0xbe: {  	s30 =	sld [smem:$0x0];
	_ =	sdelay $0x2  }
0xbf: {  	s31 =	sshll.u32 s1, $0xD;
	s1 =	sshrl.u32 s1, $0x2  }
0xc0: {  	s3 =	sand.u32 $0x4000, s31;
	s1 =	sadd.s32 s1, s30  }
0xc1: {  	s0 =	sor.u32 s3, s0;
	s1 =	sshll.u32 s1, $0x11  }
0xc2: {  	s0 =	sor.u32 s1, s0  }
0xc3: {  	s0 =	sadd.s32 $0x8F2B, s0  }
0xc4: {  	[sflag:s0] =	ssyncadd.remote.s32 $0x1  }
0xc5: {  	_ =	sfence.sel $0xFFFF  }
0xc6: {  	[dreg:$0x0] =	wrdreg $0xFFFFFFFF;
	(pc) =	sbr.abs _section_cstart, $3  }
0xc7: {  	[dreg:$0x1] =	wrdreg $0xFFFFFFFF  }
0xc8: {  	_ =	task.clear_ibuf [dreg:s7], $0x2FFFF;
	_ =	strace $0x9FFFFFFF  }
0xc9: {  	(tm) =	ssettm $0x7FFFFFFF  }
tec
execute0_lowered:
.L_overlay_start_1:
0x0: {  	(tag) =	ssettag $0x1  }
0x1: {  	s9 =	rddreg [dreg:$0x0]  }
0x2: {  	s6 =	rddreg [dreg:$0x1]  }
0x3: {  	s2 =	rddreg [dreg:$0x2]  }
0x4: {  	s0 =	rddreg [dreg:$0x3]  }
0x5: {  	s4 =	srdreg.scid;
	s1 =	stileid.u32;
	s3 =	simm.s32 $0x0  }
0x6: {  	s14 =	simm.s32 $0x80;
	s15 =	simm.s32 $0x78;
	s8 =	smul.u32 $0x2780, s1  }
0x7: {  	s16 =	simm.s32 $0x0;
	s7 =	sand.u32 $0x1, s4;
	s11 =	smul.u32 $0x4F000, s1  }
0x8: {  	[smem:$0x7FF] =	sst s3;
	s4 =	sadd.s32 $0x2400, s6;
	s25 =	smul.u32 $0x2760, s1  }
0x9: {  	s5 =	sadd.s32 $0x2C00, s6;
	s31 =	sshll.u32 s1, $0x6;
	s10 =	smul.u32 $0x27800, s7  }
0xa: {  	_ =	strace $0x80000047;
	s12 =	smul.u32 $0x27600, s7;
	s7 =	ssub.s32 $0x2, s7  }
0xb: {  	s26 =	sshrl.u32 s7, $0x1;
	s11 =	sshrl.u32 s11, $0x2;
	s8 =	sadd.s32 s8, s10  }
0xc: {  	s7 =	ssub.s32 s7, s26;
	s13 =	sadd.s32 s11, s2;
	s28 =	sadd.s32 s25, s12  }
0xd: {  	s11 =	simm.s32 $0x1;
	s12 =	sor.u32 $0x1C01, s31;
	s6 =	sadd.s32 s8, s6  }
0xe: {  	s10 =	sshrl.u32 s28, $0x3;
	s29 =	sadd.s32 $0x78, s28;
	s7 =	smax.u32 s7, $0x1  }
0xf: {  	s13 =	sshrl.u32 s13, $0x3;
	s6 =	sadd.s32 $0x5400, s6;
	s30 =	sshrl.u32 s29, $0x3  }
0x10: {  	s8 =	sadd.s32 s10, s9;
	s10 =	simm.s32 $0x100;
	s9 =	sadd.s32 s30, s9  }
.LBB2_1:
0x11: {  	[tilespmem:s10], [sflag:$0x1] =	stream.linear.gather [hbm4b:s4+s3], $0x3C00, $0x38;
	[tilespmem:$0x17900] =	vst v63  }
0x12: {  	_ =	swait.ge [sflag:s11], $0x3C00  }
0x13: {  	[sflag:s11] =	ssyncset.done $0x0  }
0x14: {  	[sflag:s11] =	ssyncadd.s32 $0xFFFFC400  }
0x15: {  	[spmem:s13], [sflag:s12] =	dma.local [hbm:s5], $0x2780  }
0x16: {  	_ =	swait.ge [sflag:s11], $0x2780  }
0x17: {  	[sflag:s11] =	ssyncset.done $0x0  }
0x18: {  	[sflag:s11] =	ssyncadd.s32 $0xFFFFD880  }
0x19: {  	s17 =	sadd.s32 $0x0, s8;
	[bflag:$0x0] =	sbarrier.arrive $0xFFFF  }
0x1a: {  	[tilespmem:s3], [sflag:$0x1] =	stream.linear.gather [hbm4b:s17+s3], $0x78, $0x38;
	[tilespmem:$0x17900] =	vst v63  }
0x1b: {  	_ =	swait.ge [sflag:s11], $0x78  }
0x1c: {  	[sflag:s11] =	ssyncset.done $0x0  }
0x1d: {  	s31 =	sadd.s32 $0x0, s9;
	[sflag:s11] =	ssyncadd.s32 $0xFFFFFF88  }
0x1e: {  	[tilespmem:s14], [sflag:$0x1] =	stream.linear.gather [hbm4b:s31+s3], $0x78, $0x38;
	[tilespmem:$0x17900] =	vst v63  }
0x1f: {  	_ =	swait.ge [sflag:s11], $0x78  }
0x20: {  	[sflag:s11] =	ssyncset.done $0x0  }
0x21: {  	[sflag:s11] =	ssyncadd.s32 $0xFFFFFF88  }
0x22: {  	[spmem:s2] =	stream.indirect.scatter.add.f32 [tilespmem:s10], [sflag:$0x1], $0x80, s3, s15, $0xb8;
	[tilespmem:$0x17900] =	vst v63  }
0x23: {  	_ =	swait.ge [sflag:s11], $0x3C00  }
0x24: {  	[sflag:s11] =	ssyncset.done $0x0  }
0x25: {  	[sflag:s11] =	ssyncadd.s32 $0xFFFFC400  }
0x26: {  	[spmem:s2] =	stream.indirect.scatter.add.f32 [tilespmem:s10], [sflag:$0x1], $0x80, s14, s15, $0xb8;
	[tilespmem:$0x17900] =	vst v63  }
0x27: {  	_ =	swait.ge [sflag:s11], $0x3C00  }
0x28: {  	s18 =	simm.s32 $0x3C;
	s17 =	simm.s32 $0x1E;
	[sflag:s11] =	ssyncset.done $0x0  }
.LBB2_2:
0x29: {  	s19 =	sadd.s32 s17, s8  }
0x2a: {  	[sflag:s11] =	ssyncadd.s32 $0xFFFFC400;
	s20 =	smov.u32 s18;
	s21 =	sadd.s32 $0x1E, s18  }
0x2b: {  	[tilespmem:s3], [sflag:$0x1] =	stream.linear.gather [hbm4b:s19+s3], $0x78, $0x38;
	[tilespmem:$0x17900] =	vst v63  }
0x2c: {  	p0 =	sne.s32 s18, $0x4CE;
	_ =	swait.ge [sflag:s11], $0x78  }
0x2d: {  	[sflag:s11] =	ssyncset.done $0x0  }
0x2e: {  	s18 =	sadd.s32 s17, s9;
	s17 =	smov.u32 s20;
	[sflag:s11] =	ssyncadd.s32 $0xFFFFFF88  }
0x2f: {  	[tilespmem:s14], [sflag:$0x1] =	stream.linear.gather [hbm4b:s18+s3], $0x78, $0x38;
	[tilespmem:$0x17900] =	vst v63  }
0x30: {  	_ =	swait.ge [sflag:s11], $0x78  }
0x31: {  	[sflag:s11] =	ssyncset.done $0x0  }
0x32: {  	[sflag:s11] =	ssyncadd.s32 $0xFFFFFF88  }
0x33: {  	[spmem:s2] =	stream.indirect.scatter.add.f32 [tilespmem:s10], [sflag:$0x1], $0x80, s3, s15, $0xb8;
	[tilespmem:$0x17900] =	vst v63  }
0x34: {  	_ =	swait.ge [sflag:s11], $0x3C00  }
.Ltmp0:
0x35: {  	[sflag:s11] =	ssyncset.done $0x0;
	(pc) =	sbr.rel @p0 .LBB2_2-.Ltmp0, $4  }
0x36: {  	[sflag:s11] =	ssyncadd.s32 $0xFFFFC400  }
0x37: {  	[spmem:s2] =	stream.indirect.scatter.add.f32 [tilespmem:s10], [sflag:$0x1], $0x80, s14, s15, $0xb8;
	[tilespmem:$0x17900] =	vst v63  }
0x38: {  	_ =	swait.ge [sflag:s11], $0x3C00  }
0x39: {  	s18 =	smov.u32 s21;
	[sflag:s11] =	ssyncset.done $0x0  }
0x3a: {  	s18 =	sadd.s32 s17, s8;
	[sflag:s11] =	ssyncadd.s32 $0xFFFFC400  }
0x3b: {  	[tilespmem:s3], [sflag:$0x1] =	stream.linear.gather [hbm4b:s18+s3], $0x78, $0x38;
	[tilespmem:$0x17900] =	vst v63  }
0x3c: {  	_ =	swait.ge [sflag:s11], $0x78  }
0x3d: {  	[sflag:s11] =	ssyncset.done $0x0  }
0x3e: {  	s31 =	sadd.s32 s17, s9;
	[sflag:s11] =	ssyncadd.s32 $0xFFFFFF88  }
0x3f: {  	[tilespmem:s14], [sflag:$0x1] =	stream.linear.gather [hbm4b:s31+s3], $0x78, $0x38;
	[tilespmem:$0x17900] =	vst v63  }
0x40: {  	_ =	swait.ge [sflag:s11], $0x78  }
0x41: {  	[sflag:s11] =	ssyncset.done $0x0  }
0x42: {  	[sflag:s11] =	ssyncadd.s32 $0xFFFFFF88  }
0x43: {  	[spmem:s2] =	stream.indirect.scatter.add.f32 [tilespmem:s10], [sflag:$0x1], $0x80, s3, s15, $0xb8;
	[tilespmem:$0x17900] =	vst v63  }
0x44: {  	_ =	swait.ge [sflag:s11], $0x3C00  }
0x45: {  	[sflag:s11] =	ssyncset.done $0x0  }
0x46: {  	[sflag:s11] =	ssyncadd.s32 $0xFFFFC400  }
0x47: {  	[spmem:s2] =	stream.indirect.scatter.add.f32 [tilespmem:s10], [sflag:$0x1], $0x80, s14, s15, $0xb8;
	[tilespmem:$0x17900] =	vst v63  }
0x48: {  	_ =	swait.ge [sflag:s11], $0x3C00  }
0x49: {  	s16 =	sadd.s32 $0x1, s16;
	[sflag:s11] =	ssyncset.done $0x0  }
0x4a: {  	p0 =	sne.s32 s16, s7;
	[sflag:s11] =	ssyncadd.s32 $0xFFFFC400  }
.Ltmp1:
0x4b: {  	[bflag:$0x0] =	sbarrier.arrive $0xFFFF;
	(pc) =	sbr.rel @p0 .LBB2_1-.Ltmp1, $4  }
0x4c: {  	[hbm:s6], [sflag:s12] =	dma.local [spmem:s13], $0x2780  }
0x4d: {  	_ =	swait.ge [sflag:s11], $0x2780  }
0x4e: {  	[sflag:s11] =	ssyncset.done $0x0  }
0x4f: {  	[sflag:s11] =	ssyncadd.s32 $0xFFFFD880  }
0x50: {  	_ =	sfence.sel $0x180000  }
0x51: {  	[bflag:$0x0] =	sbarrier.arrive $0xFFFF  }
0x52: {  	p0 =	sne.s32 s1, $0x0;
	_ =	strace $0x90000047  }
0x53: {  	s0 =	sadd.s32 @!p0 $0x100000, s0;
	[bflag:$0x2] =	sbarrier.arrive $0xFFFF  }
0x54: {  	[sflag:s0] =	ssyncadd.tile.s32 @!p0 $0x1;
	_ =	shalt  }
.Lfunc_end2:
_tile_overlayer_lowered:
.L_overlay_start_2:
0x55: {  	(tag) =	ssettag $0x2  }
0x56: {  	s0 =	rddreg [dreg:$0x0];
	s2 =	stileid.u32  }
0x57: {  	s1 =	rddreg [dreg:$0x1];
	p0 =	sne.s32 s2, $0x0  }
0x58: {  	s3 =	rddreg [dreg:$0x2];
	[bflag:$0x3] =	sbarrier.arrive $0xFFFF;
	s2 =	simm.s32 @!p0 $0x1C01  }
0x59: {  	[timem:s3], [sflag:s2] =	dma.local @!p0 [hbm:s0], s1  }
0x5a: {  	s0 =	simm.s32 @!p0 $0x1  }
0x5b: {  	_ =	swait.ge @!p0 [sflag:s0], s1  }
0x5c: {  	s1 =	ssub.s32 @!p0 $0x0, s1;
	[sflag:s0] =	ssyncset.done @!p0 $0x0  }
0x5d: {  	[sflag:s0] =	ssyncadd.s32 @!p0 s1  }
0x5e: {  	[bflag:$0x3] =	sbarrier.arrive $0xFFFF  }
0x5f: {  	_ =	shalt  }

</sc_bundles>
